<compile_context>
chip_gen: v7x
topology: tpu7x:2x2x1
jax: 0.10.2.dev20260603
libtpu: 0.0.44.dev20260713+nightly
codegen_flags: <defaults>
</compile_context>

<pallas_src>
import functools

import jax
import jax.numpy as jnp
from jax import lax
from jax.experimental import pallas as pl
from jax.experimental.pallas import tpu as pltpu
from jax.experimental.pallas import tpu_sc as plsc


def _mlp_table_body(tab_ref, w1_ref, b1_ref, w2_ref, b2_ref, y_ref):
    h = jnp.dot(tab_ref[...], w1_ref[...], preferred_element_type=jnp.float32)
    h = jnp.maximum(h + b1_ref[...], 0.0)
    y_ref[...] = (
        jnp.dot(h, w2_ref[...], preferred_element_type=jnp.float32) + b2_ref[...]
    )


def _compute_vocab_outputs(embed_table, W1, b1, W2, b2):
    V = embed_table.shape[0]
    H = W1.shape[1]
    O = W2.shape[1]
    return pl.pallas_call(
        _mlp_table_body,
        out_shape=jax.ShapeDtypeStruct((V, O), jnp.float32),
    )(embed_table, W1, b1.reshape(1, H), W2, b2.reshape(1, O))


@functools.cache
def _make_gather(V, D, N):
    info = plsc.get_sparse_core_info()
    NC, NS = info.num_cores, info.num_subcores
    NW = NC * NS
    assert N % NW == 0
    n_per = N // NW
    NBUF = 2
    C = 200
    assert n_per % (NBUF * C) == 0
    rounds = n_per // (NBUF * C)

    mesh = plsc.VectorSubcoreMesh(core_axis_name="c", subcore_axis_name="s")

    @functools.partial(
        pl.kernel,
        out_type=jax.ShapeDtypeStruct((N, D), jnp.float32),
        mesh=mesh,
        scratch_types=[
            pltpu.VMEM((n_per,), jnp.int32),
        ]
        + [pltpu.VMEM((C, D), jnp.float32)] * NBUF
        + [pltpu.SemaphoreType.DMA] * (2 * NBUF),
    )
    def gather(y_hbm, idx_hbm, out_hbm, idx_v, *bufs_and_sems):
        rows = bufs_and_sems[:NBUF]
        gsem = bufs_and_sems[NBUF : 2 * NBUF]
        ssem = bufs_and_sems[2 * NBUF :]
        wid = lax.axis_index("s") * NC + lax.axis_index("c")
        base = wid * n_per
        pltpu.sync_copy(idx_hbm.at[pl.ds(base, n_per)], idx_v)

        def start_gather(g, buf, sem):
            pltpu.async_copy(y_hbm.at[idx_v.at[pl.ds(g * C, C)]], buf, sem)

        def wait_gather(buf, sem):
            pltpu.make_async_copy(y_hbm.at[idx_v.at[pl.ds(0, C)]], buf, sem).wait()

        n_chunks = rounds * NBUF
        start_gather(0, rows[0], gsem[0])
        start_gather(1, rows[1], gsem[1])

        def body(i, carry):
            g0 = 2 * i

            wait_gather(rows[0], gsem[0])
            pltpu.sync_copy(rows[0], out_hbm.at[pl.ds(base + g0 * C, C)])

            @pl.when(g0 + 2 < n_chunks)
            def _():
                start_gather(g0 + 2, rows[0], gsem[0])

            wait_gather(rows[1], gsem[1])
            pltpu.sync_copy(rows[1], out_hbm.at[pl.ds(base + (g0 + 1) * C, C)])

            @pl.when(g0 + 3 < n_chunks)
            def _():
                start_gather(g0 + 3, rows[1], gsem[1])

            return carry

        lax.fori_loop(0, n_chunks // 2, body, 0)

    return gather


def kernel(ids, embed_table, W1, b1, W2, b2):
    B, L = ids.shape
    V = embed_table.shape[0]
    O = W2.shape[1]
    y = _compute_vocab_outputs(embed_table, W1, b1, W2, b2)
    idx = ids.reshape(-1).astype(jnp.int32)
    out = _make_gather(V, O, B * L)(y, idx)
    return out.reshape(B, L, O)

# --- scband reference (transcript-rebuilt; emitter-appended) ---
"""Pipeline reference for scband-protein-encoder-50311246905567 (READ-ONLY COPY).

The authoritative reference and input builder live on the scoring server;
editing this copy changes nothing except your own understanding.
"""

import jax, jax.numpy as jnp
import numpy as np

VOCAB = 1000
EMBED_DIM = 128
HIDDEN = 512
OUT_DIM = 256
B, L = 1024, 200


def setup_inputs(seed: int = 0) -> dict:
    key = jax.random.key(seed)
    k1, k2, k3, k4, k5, k6 = jax.random.split(key, 6)
    ids = jax.random.randint(k1, (B, L), 0, VOCAB, dtype=jnp.int64) if jax.config.jax_enable_x64 else jax.random.randint(k1, (B, L), 0, VOCAB, dtype=jnp.int32)
    embed_table = jax.random.normal(k2, (VOCAB, EMBED_DIM), dtype=jnp.float32)
    W1 = jax.random.normal(k3, (EMBED_DIM, HIDDEN), dtype=jnp.float32) * (1.0 / np.sqrt(EMBED_DIM))
    b1 = jnp.zeros((HIDDEN,), dtype=jnp.float32)
    W2 = jax.random.normal(k4, (HIDDEN, OUT_DIM), dtype=jnp.float32) * (1.0 / np.sqrt(HIDDEN))
    b2 = jnp.zeros((OUT_DIM,), dtype=jnp.float32)
    return {"ids": ids, "embed_table": embed_table, "W1": W1, "b1": b1, "W2": W2, "b2": b2}


def reference(ids, embed_table, W1, b1, W2, b2):
    # Embedding lookup over padded token ids: [B, L] -> [B, L, embed_dim]
    x = jnp.take(embed_table, ids, axis=0)
    # MLP: Linear(embed_dim, 512) -> ReLU -> Dropout(eval=identity) -> Linear(512, hidden_size)
    h = jnp.maximum(jnp.dot(x, W1) + b1, 0.0)
    out = jnp.dot(h, W2) + b2
    return out

if __name__ == "__main__":
    import jax
    _d = setup_inputs()
    print(jax.jit(kernel)(*tuple(_d.values())))

</pallas_src>

<mosaic_0001>
#map = affine_map<(d0, d1) -> (0, 0)>
#map1 = affine_map<(d0, d1) -> (0)>
module attributes {stable_mosaic.version = 14 : i64} {
  func.func @gather(%arg0: i32, %arg1: i32, %arg2: memref<1000x256xf32, #tpu.memory_space<hbm>>, %arg3: memref<204800xi32, #tpu.memory_space<hbm>>, %arg4: memref<204800x256xf32, #tpu.memory_space<hbm>>, %arg5: memref<6400xi32, #tpu.memory_space<vmem>>, %arg6: memref<200x256xf32, #tpu.memory_space<vmem>>, %arg7: memref<200x256xf32, #tpu.memory_space<vmem>>, %arg8: memref<!tpu.dma_semaphore, #tpu.memory_space<semaphore_mem>>, %arg9: memref<!tpu.dma_semaphore, #tpu.memory_space<semaphore_mem>>, %arg10: memref<!tpu.dma_semaphore, #tpu.memory_space<semaphore_mem>>, %arg11: memref<!tpu.dma_semaphore, #tpu.memory_space<semaphore_mem>>) attributes {dimension_semantics = [#tpu.dimension_semantics<core_parallel>, #tpu.dimension_semantics<subcore_parallel>], iteration_bounds = array<i64: 2, 16>, scalar_prefetch = 0 : i64, scratch_operands = 7 : i64, tpu.core_type = #tpu.core_type<sc_vector_subcore>, window_params = [{transform_indices = #map}, {transform_indices = #map1}, {transform_indices = #map}]} {
    %mul3A = arith.constant 2 : i32
    %mul3A_0 = arith.muli %arg1, %mul3A : i32
    %add3A = arith.addi %mul3A_0, %arg0 : i32
    %mul3A_1 = arith.constant 6400 : i32
    %mul3A_2 = arith.muli %add3A, %mul3A_1 : i32
    "tpu.region"() ({
      %run_scoped3A = tpu.sem_alloc : memref<!tpu.dma_semaphore, #tpu.memory_space<semaphore_mem>>
      %dma_start3A_17 = tpu.memref_slice %arg3[%mul3A_2] : memref<204800xi32, #tpu.memory_space<hbm>> -> memref<6400xi32, #tpu.memory_space<hbm>>
      %dma_start3A_18 = tpu.memref_slice %arg3[%mul3A_2] : memref<204800xi32, #tpu.memory_space<hbm>> -> memref<6400xi32, #tpu.memory_space<hbm>>
      tpu.enqueue_dma source(%dma_start3A_18 : memref<6400xi32, #tpu.memory_space<hbm>>) target(%arg5 : memref<6400xi32, #tpu.memory_space<vmem>>) target_semaphore(%run_scoped3A : memref<!tpu.dma_semaphore, #tpu.memory_space<semaphore_mem>>)
      %dma_wait3A = tpu.memref_slice %arg3[%mul3A_2] : memref<204800xi32, #tpu.memory_space<hbm>> -> memref<6400xi32, #tpu.memory_space<hbm>>
      %dma_wait3A_19 = tpu.memref_slice %arg3[%mul3A_2] : memref<204800xi32, #tpu.memory_space<hbm>> -> memref<6400xi32, #tpu.memory_space<hbm>>
      tpu.wait_dma2 semaphore(%run_scoped3A : memref<!tpu.dma_semaphore, #tpu.memory_space<semaphore_mem>>) src(%dma_wait3A_19 : memref<6400xi32, #tpu.memory_space<hbm>>) dst(%arg5 : memref<6400xi32, #tpu.memory_space<vmem>>)
      tpu.yield
    }) : () -> ()
    %dma_start3A = arith.constant 0 : i32
    %dma_start3A_3 = tpu.memref_slice %arg5[%dma_start3A] : memref<6400xi32, #tpu.memory_space<vmem>> -> memref<200xi32, #tpu.memory_space<vmem>>
    %dma_start3A_4 = arith.constant 0 : i32
    %dma_start3A_5 = arith.constant 0 : i32
    %dma_start3A_6 = tpu.memref_slice %arg2[%dma_start3A_4, %dma_start3A_5] : memref<1000x256xf32, #tpu.memory_space<hbm>> -> memref<1000x256xf32, #tpu.memory_space<hbm>>
    tpu.enqueue_indirect_dma source(%dma_start3A_6 : memref<1000x256xf32, #tpu.memory_space<hbm>>) target(%arg6 : memref<200x256xf32, #tpu.memory_space<vmem>>) offsets(%dma_start3A_3 : memref<200xi32, #tpu.memory_space<vmem>>) semaphore(%arg8 : memref<!tpu.dma_semaphore, #tpu.memory_space<semaphore_mem>>)
    %dma_start3A_7 = arith.constant 200 : i32
    %dma_start3A_8 = tpu.memref_slice %arg5[%dma_start3A_7] : memref<6400xi32, #tpu.memory_space<vmem>> -> memref<200xi32, #tpu.memory_space<vmem>>
    %dma_start3A_9 = arith.constant 0 : i32
    %dma_start3A_10 = arith.constant 0 : i32
    %dma_start3A_11 = tpu.memref_slice %arg2[%dma_start3A_9, %dma_start3A_10] : memref<1000x256xf32, #tpu.memory_space<hbm>> -> memref<1000x256xf32, #tpu.memory_space<hbm>>
    tpu.enqueue_indirect_dma source(%dma_start3A_11 : memref<1000x256xf32, #tpu.memory_space<hbm>>) target(%arg7 : memref<200x256xf32, #tpu.memory_space<vmem>>) offsets(%dma_start3A_8 : memref<200xi32, #tpu.memory_space<vmem>>) semaphore(%arg9 : memref<!tpu.dma_semaphore, #tpu.memory_space<semaphore_mem>>)
    %scan3A = arith.constant 0 : i32
    %scan3A_12 = arith.constant 0 : i32
    %scan3A_13 = arith.constant 16 : i32
    %scan3A_14 = arith.addi %scan3A_12, %scan3A_13 : i32
    %scan3A_15 = arith.constant 1 : i32
    scf.for %scan3A_17 = %scan3A_12 to %scan3A_14 step %scan3A_15  : i32 {
      %mul3A_18 = arith.constant 2 : i32
      %mul3A_19 = arith.muli %mul3A_18, %scan3A_17 : i32
      %dma_wait3A = arith.constant 0 : i32
      %dma_wait3A_20 = tpu.memref_slice %arg5[%dma_wait3A] : memref<6400xi32, #tpu.memory_space<vmem>> -> memref<200xi32, #tpu.memory_space<vmem>>
      %dma_wait3A_21 = arith.constant 0 : i32
      %dma_wait3A_22 = arith.constant 0 : i32
      %dma_wait3A_23 = tpu.memref_slice %arg2[%dma_wait3A_21, %dma_wait3A_22] : memref<1000x256xf32, #tpu.memory_space<hbm>> -> memref<1000x256xf32, #tpu.memory_space<hbm>>
      tpu.wait_indirect_dma semaphore(%arg8 : memref<!tpu.dma_semaphore, #tpu.memory_space<semaphore_mem>>) src(%dma_wait3A_23 : memref<1000x256xf32, #tpu.memory_space<hbm>>) dst(%arg6 : memref<200x256xf32, #tpu.memory_space<vmem>>)
      %mul3A_24 = arith.constant 200 : i32
      %mul3A_25 = arith.muli %mul3A_19, %mul3A_24 : i32
      %add3A_26 = arith.addi %mul3A_2, %mul3A_25 : i32
      "tpu.region"() ({
        %run_scoped3A = tpu.sem_alloc : memref<!tpu.dma_semaphore, #tpu.memory_space<semaphore_mem>>
        %dma_start3A_48 = arith.constant 0 : i32
        %dma_start3A_49 = tpu.memref_slice %arg4[%add3A_26, %dma_start3A_48] : memref<204800x256xf32, #tpu.memory_space<hbm>> -> memref<200x256xf32, #tpu.memory_space<hbm>>
        %dma_start3A_50 = arith.constant 0 : i32
        %dma_start3A_51 = tpu.memref_slice %arg4[%add3A_26, %dma_start3A_50] : memref<204800x256xf32, #tpu.memory_space<hbm>> -> memref<200x256xf32, #tpu.memory_space<hbm>>
        tpu.enqueue_dma source(%arg6 : memref<200x256xf32, #tpu.memory_space<vmem>>) target(%dma_start3A_51 : memref<200x256xf32, #tpu.memory_space<hbm>>) target_semaphore(%run_scoped3A : memref<!tpu.dma_semaphore, #tpu.memory_space<semaphore_mem>>)
        %dma_wait3A_52 = arith.constant 0 : i32
        %dma_wait3A_53 = tpu.memref_slice %arg4[%add3A_26, %dma_wait3A_52] : memref<204800x256xf32, #tpu.memory_space<hbm>> -> memref<200x256xf32, #tpu.memory_space<hbm>>
        %dma_wait3A_54 = arith.constant 0 : i32
        %dma_wait3A_55 = tpu.memref_slice %arg4[%add3A_26, %dma_wait3A_54] : memref<204800x256xf32, #tpu.memory_space<hbm>> -> memref<200x256xf32, #tpu.memory_space<hbm>>
        tpu.wait_dma2 semaphore(%run_scoped3A : memref<!tpu.dma_semaphore, #tpu.memory_space<semaphore_mem>>) src(%arg6 : memref<200x256xf32, #tpu.memory_space<vmem>>) dst(%dma_wait3A_55 : memref<200x256xf32, #tpu.memory_space<hbm>>)
        tpu.yield
      }) : () -> ()
      %add3A_27 = arith.constant 2 : i32
      %add3A_28 = arith.addi %mul3A_19, %add3A_27 : i32
      %lt3A = arith.constant 32 : i32
      %lt3A_29 = arith.cmpi slt, %add3A_28, %lt3A : i32
      %convert_element_type3A = arith.extui %lt3A_29 : i1 to i32
      %cond3A = arith.constant 0 : i32
      %cond3A_30 = arith.cmpi ne, %convert_element_type3A, %cond3A : i32
      scf.if %cond3A_30 {
        %add3A_48 = arith.constant 2 : i32
        %add3A_49 = arith.addi %mul3A_19, %add3A_48 : i32
        %mul3A_50 = arith.constant 200 : i32
        %mul3A_51 = arith.muli %add3A_49, %mul3A_50 : i32
        %dma_start3A_52 = tpu.memref_slice %arg5[%mul3A_51] : memref<6400xi32, #tpu.memory_space<vmem>> -> memref<200xi32, #tpu.memory_space<vmem>>
        %dma_start3A_53 = arith.constant 0 : i32
        %dma_start3A_54 = arith.constant 0 : i32
        %dma_start3A_55 = tpu.memref_slice %arg2[%dma_start3A_53, %dma_start3A_54] : memref<1000x256xf32, #tpu.memory_space<hbm>> -> memref<1000x256xf32, #tpu.memory_space<hbm>>
        tpu.enqueue_indirect_dma source(%dma_start3A_55 : memref<1000x256xf32, #tpu.memory_space<hbm>>) target(%arg6 : memref<200x256xf32, #tpu.memory_space<vmem>>) offsets(%dma_start3A_52 : memref<200xi32, #tpu.memory_space<vmem>>) semaphore(%arg8 : memref<!tpu.dma_semaphore, #tpu.memory_space<semaphore_mem>>)
      } else {
      }
      %dma_wait3A_31 = arith.constant 0 : i32
      %dma_wait3A_32 = tpu.memref_slice %arg5[%dma_wait3A_31] : memref<6400xi32, #tpu.memory_space<vmem>> -> memref<200xi32, #tpu.memory_space<vmem>>
      %dma_wait3A_33 = arith.constant 0 : i32
      %dma_wait3A_34 = arith.constant 0 : i32
      %dma_wait3A_35 = tpu.memref_slice %arg2[%dma_wait3A_33, %dma_wait3A_34] : memref<1000x256xf32, #tpu.memory_space<hbm>> -> memref<1000x256xf32, #tpu.memory_space<hbm>>
      tpu.wait_indirect_dma semaphore(%arg9 : memref<!tpu.dma_semaphore, #tpu.memory_space<semaphore_mem>>) src(%dma_wait3A_35 : memref<1000x256xf32, #tpu.memory_space<hbm>>) dst(%arg7 : memref<200x256xf32, #tpu.memory_space<vmem>>)
      %add3A_36 = arith.constant 1 : i32
      %add3A_37 = arith.addi %mul3A_19, %add3A_36 : i32
      %mul3A_38 = arith.constant 200 : i32
      %mul3A_39 = arith.muli %add3A_37, %mul3A_38 : i32
      %add3A_40 = arith.addi %mul3A_2, %mul3A_39 : i32
      "tpu.region"() ({
        %run_scoped3A = tpu.sem_alloc : memref<!tpu.dma_semaphore, #tpu.memory_space<semaphore_mem>>
        %dma_start3A_48 = arith.constant 0 : i32
        %dma_start3A_49 = tpu.memref_slice %arg4[%add3A_40, %dma_start3A_48] : memref<204800x256xf32, #tpu.memory_space<hbm>> -> memref<200x256xf32, #tpu.memory_space<hbm>>
        %dma_start3A_50 = arith.constant 0 : i32
        %dma_start3A_51 = tpu.memref_slice %arg4[%add3A_40, %dma_start3A_50] : memref<204800x256xf32, #tpu.memory_space<hbm>> -> memref<200x256xf32, #tpu.memory_space<hbm>>
        tpu.enqueue_dma source(%arg7 : memref<200x256xf32, #tpu.memory_space<vmem>>) target(%dma_start3A_51 : memref<200x256xf32, #tpu.memory_space<hbm>>) target_semaphore(%run_scoped3A : memref<!tpu.dma_semaphore, #tpu.memory_space<semaphore_mem>>)
        %dma_wait3A_52 = arith.constant 0 : i32
        %dma_wait3A_53 = tpu.memref_slice %arg4[%add3A_40, %dma_wait3A_52] : memref<204800x256xf32, #tpu.memory_space<hbm>> -> memref<200x256xf32, #tpu.memory_space<hbm>>
        %dma_wait3A_54 = arith.constant 0 : i32
        %dma_wait3A_55 = tpu.memref_slice %arg4[%add3A_40, %dma_wait3A_54] : memref<204800x256xf32, #tpu.memory_space<hbm>> -> memref<200x256xf32, #tpu.memory_space<hbm>>
        tpu.wait_dma2 semaphore(%run_scoped3A : memref<!tpu.dma_semaphore, #tpu.memory_space<semaphore_mem>>) src(%arg7 : memref<200x256xf32, #tpu.memory_space<vmem>>) dst(%dma_wait3A_55 : memref<200x256xf32, #tpu.memory_space<hbm>>)
        tpu.yield
      }) : () -> ()
      %add3A_41 = arith.constant 3 : i32
      %add3A_42 = arith.addi %mul3A_19, %add3A_41 : i32
      %lt3A_43 = arith.constant 32 : i32
      %lt3A_44 = arith.cmpi slt, %add3A_42, %lt3A_43 : i32
      %convert_element_type3A_45 = arith.extui %lt3A_44 : i1 to i32
      %cond3A_46 = arith.constant 0 : i32
      %cond3A_47 = arith.cmpi ne, %convert_element_type3A_45, %cond3A_46 : i32
      scf.if %cond3A_47 {
        %add3A_48 = arith.constant 3 : i32
        %add3A_49 = arith.addi %mul3A_19, %add3A_48 : i32
        %mul3A_50 = arith.constant 200 : i32
        %mul3A_51 = arith.muli %add3A_49, %mul3A_50 : i32
        %dma_start3A_52 = tpu.memref_slice %arg5[%mul3A_51] : memref<6400xi32, #tpu.memory_space<vmem>> -> memref<200xi32, #tpu.memory_space<vmem>>
        %dma_start3A_53 = arith.constant 0 : i32
        %dma_start3A_54 = arith.constant 0 : i32
        %dma_start3A_55 = tpu.memref_slice %arg2[%dma_start3A_53, %dma_start3A_54] : memref<1000x256xf32, #tpu.memory_space<hbm>> -> memref<1000x256xf32, #tpu.memory_space<hbm>>
        tpu.enqueue_indirect_dma source(%dma_start3A_55 : memref<1000x256xf32, #tpu.memory_space<hbm>>) target(%arg7 : memref<200x256xf32, #tpu.memory_space<vmem>>) offsets(%dma_start3A_52 : memref<200xi32, #tpu.memory_space<vmem>>) semaphore(%arg9 : memref<!tpu.dma_semaphore, #tpu.memory_space<semaphore_mem>>)
      } else {
      }
    }
    %scan3A_16 = arith.constant 16 : i32
    return
  }
}

module attributes {stable_mosaic.version = 14 : i64} {
  func.func @_mlp_table_body(%arg0: memref<1000x128xf32, #tpu.memory_space<vmem>>, %arg1: memref<128x512xf32, #tpu.memory_space<vmem>>, %arg2: memref<1x512xf32, #tpu.memory_space<vmem>>, %arg3: memref<512x256xf32, #tpu.memory_space<vmem>>, %arg4: memref<1x256xf32, #tpu.memory_space<vmem>>, %arg5: memref<1000x256xf32, #tpu.memory_space<vmem>>) attributes {dimension_semantics = [], scalar_prefetch = 0 : i64, scratch_operands = 0 : i64, tpu.core_type = #tpu.core_type<tc>} {
    %get3A = arith.constant 0 : index
    %get3A_0 = arith.constant 0 : index
    %get3A_1 = vector.load %arg0[%get3A, %get3A_0] : memref<1000x128xf32, #tpu.memory_space<vmem>>, vector<1000x128xf32>
    %get3A_2 = arith.constant 0 : index
    %get3A_3 = arith.constant 0 : index
    %get3A_4 = vector.load %arg1[%get3A_2, %get3A_3] : memref<128x512xf32, #tpu.memory_space<vmem>>, vector<128x512xf32>
    %dot_general3A = arith.constant dense<0.000000e+00> : vector<1000x512xf32>
    %dot_general3A_5 = tpu.matmul %get3A_1, %get3A_4, %dot_general3A {dimension_numbers = #tpu.dot_dimension_numbers<[1], [0], [0], [1], [0, 0, 1, 1], [], []>, transpose_lhs_hint = false} : vector<1000x128xf32>, vector<128x512xf32>, vector<1000x512xf32> -> vector<1000x512xf32>
    %get3A_6 = arith.constant 0 : index
    %get3A_7 = arith.constant 0 : index
    %get3A_8 = vector.load %arg2[%get3A_6, %get3A_7] : memref<1x512xf32, #tpu.memory_space<vmem>>, vector<1x512xf32>
    %add3A = vector.broadcast %get3A_8 : vector<1x512xf32> to vector<1000x512xf32>
    %add3A_9 = arith.addf %dot_general3A_5, %add3A : vector<1000x512xf32>
    %max3A = arith.constant 0.000000e+00 : f32
    %max3A_10 = vector.broadcast %max3A : f32 to vector<1000x512xf32>
    %max3A_11 = arith.maximumf %add3A_9, %max3A_10 : vector<1000x512xf32>
    %get3A_12 = arith.constant 0 : index
    %get3A_13 = arith.constant 0 : index
    %get3A_14 = vector.load %arg3[%get3A_12, %get3A_13] : memref<512x256xf32, #tpu.memory_space<vmem>>, vector<512x256xf32>
    %dot_general3A_15 = arith.constant dense<0.000000e+00> : vector<1000x256xf32>
    %dot_general3A_16 = tpu.matmul %max3A_11, %get3A_14, %dot_general3A_15 {dimension_numbers = #tpu.dot_dimension_numbers<[1], [0], [0], [1], [0, 0, 1, 1], [], []>, transpose_lhs_hint = false} : vector<1000x512xf32>, vector<512x256xf32>, vector<1000x256xf32> -> vector<1000x256xf32>
    %get3A_17 = arith.constant 0 : index
    %get3A_18 = arith.constant 0 : index
    %get3A_19 = vector.load %arg4[%get3A_17, %get3A_18] : memref<1x256xf32, #tpu.memory_space<vmem>>, vector<1x256xf32>
    %add3A_20 = vector.broadcast %get3A_19 : vector<1x256xf32> to vector<1000x256xf32>
    %add3A_21 = arith.addf %dot_general3A_16, %add3A_20 : vector<1000x256xf32>
    %swap3A = arith.constant 0 : index
    %swap3A_22 = arith.constant 0 : index
    %swap3A_23 = vector.load %arg5[%swap3A, %swap3A_22] : memref<1000x256xf32, #tpu.memory_space<vmem>>, vector<1000x256xf32>
    tpu.vector_store %arg5[%swap3A, %swap3A_22], %add3A_21 {strides = array<i32>} : memref<1000x256xf32, #tpu.memory_space<vmem>>, vector<1000x256xf32>,
    return
  }
}

</mosaic_0001>

<sc_bundles>
// kernel: kernel.4.cloned.1.call-start
scs
__scs_entry_jumppad:
0x0: {  	(pc) =	sbr.rel $0x88, $3  }
0x1: {  	(tag) =	ssettag $0x0;
	lr =	simm.s32 $0x1  }
0x2: {  	[smem:$0x3F9B] =	sst lr;
	_ =	strace $0xD0000000  }
0x3: {  	_ = 	snop  }
0x4: {  	_ = 	snop  }
0x5: {  	_ = 	snop  }
0x6: {  	_ = 	snop  }
0x7: {  	_ = 	snop  }
__scs_overlays_trampoline_lowered:
0x8: {  	[smem:$0x3FAA] =	sst s0  }
0x9: {  	[smem:$0x3FAB] =	sst s1  }
0xa: {  	[smem:$0x3FAC] =	sst s2  }
0xb: {  	[smem:$0x3FAD] =	sst s3  }
0xc: {  	[smem:$0x3FAE] =	sst s4  }
0xd: {  	[smem:$0x3FAF] =	sst s5  }
0xe: {  	[smem:$0x3FB0] =	sst s6  }
0xf: {  	[smem:$0x3FB1] =	sst s7  }
0x10: {  	[smem:$0x3FB2] =	sst s8  }
0x11: {  	[smem:$0x3FB3] =	sst s9;
	s0 =	simm.s32 @!p0 $0x0  }
0x12: {  	s1 =	sld [smem:$0x3F99];
	s0 =	simm.s32 @p0 $0x1  }
0x13: {  	[smem:$0x3FB4] =	sst s0;
	s0 =	simm.s32 @!p1 $0x0  }
0x14: {  	s2 =	sld [smem:$0x3F98];
	s0 =	simm.s32 @p1 $0x1  }
0x15: {  	[smem:$0x3FB5] =	sst s0;
	s0 =	simm.s32 @!p2 $0x0  }
0x16: {  	s3 =	sld [smem:$0x3FDB];
	s0 =	simm.s32 @p2 $0x1  }
0x17: {  	s4 =	simm.s32 $0x1BF5;
	[smem:$0x3FB7] =	sst s0  }
0x18: {  	s0 =	sld [smem:$0x3F9A];
	_ =	swait.ge [sflag:s4], $0x0  }
0x19: {  	s7 =	sld [smem:$0x3F9B]  }
0x1a: {  	s8 =	sadd.s32 $0xFFFFE003, lr  }
0x1b: {  	s9 =	sadd.s32 $0xFFFFFEF7, lr;
	s5 =	simm.s32 $0xFFFFFFFF;
	p2 =	slt.u32 s8, $0xFFFFF086  }
0x1c: {  	p1 =	slt.u32 s9, $0xF7A;
	s5 =	simm.s32 @!p2 $0x0  }
0x1d: {  	s5 =	simm.s32 @p1 $0x1;
	p0 =	seq.s32 s7, s2  }
0x1e: {  	s7 =	smul.u32 @!p0 $0xF7A, s2;
	p2 =	seq.s32 @!p0 s5, $0x0  }
0x1f: {  	s9 =	smul.u32 $0xF7A, s1;
	s8 =	simm.s32 @!p0 $0x1BF5;
	p2 =	por !p2, p0  }
0x20: {  	[sflag:s8] =	ssyncset.s32 @!p0 $0xFFFFF086;
	s6 =	sadd.s32 @!p0 s3, s7;
	s7 =	simm.s32 @!p0 $0x108  }
0x21: {  	s3 =	sadd.s32 s3, s9;
	s6 =	sadd.s32 @!p0 $0x88, s6;
	s7 =	simm.s32 @p2 $0x1082  }
0x22: {  	[simem:s7], [sflag:s8] =	dma.local @!p0 [hbm:s6], $0xF7A  }
0x23: {  	s9 =	sor.u32 $0xD0000000, s2;
	s6 =	simm.s32 $0x108;
	_ =	swait.ge @!p0 [sflag:s8], $0x0  }
0x24: {  	s3 =	sadd.s32 $0x88, s3;
	s6 =	simm.s32 @!p1 $0x1082;
	[sflag:s4] =	ssyncset.s32 $0xFFFFF086  }
0x25: {  	[simem:s6], [sflag:s4] =	dma.local [hbm:s3], $0xF7A  }
0x26: {  	[smem:$0x3F9B] =	sst s1;
	(tag) =	ssettag s2;
	_ =	strace s9  }
0x27: {  	s1 =	sld [smem:$0x3FAB]  }
0x28: {  	s2 =	sld [smem:$0x3FAC]  }
0x29: {  	s4 =	sld [smem:$0x3FAE]  }
0x2a: {  	p0 =	seq.s32 s5, $0x0;
	s5 =	sld [smem:$0x3FAF]  }
0x2b: {  	s6 =	sld [smem:$0x3FB0]  }
0x2c: {  	s7 =	sld [smem:$0x3FB1]  }
0x2d: {  	s3 =	simm.s32 $0x108;
	s8 =	sld [smem:$0x3FB2]  }
0x2e: {  	s3 =	simm.s32 @!p0 $0x1082;
	s9 =	sld [smem:$0x3FB3]  }
0x2f: {  	lr =	sadd.s32 s0, s3;
	s0 =	sld [smem:$0x3FAA]  }
0x30: {  	s3 =	sld [smem:$0x3FAD]  }
0x31: {  	[smem:$0x3FB6] =	sst s10  }
0x32: {  	s10 =	sld [smem:$0x3FB4];
	_ =	sdelay $0x3  }
0x33: {  	p0 =	seq.s32 s10, $0x1;
	s10 =	sld [smem:$0x3FB6];
	_ =	sdelay $0x3  }
0x34: {  	[smem:$0x3FB6] =	sst s10  }
0x35: {  	s10 =	sld [smem:$0x3FB5];
	_ =	sdelay $0x3  }
0x36: {  	p1 =	seq.s32 s10, $0x1;
	s10 =	sld [smem:$0x3FB6];
	_ =	sdelay $0x3  }
0x37: {  	[smem:$0x3FB6] =	sst s10  }
0x38: {  	s10 =	sld [smem:$0x3FB7]  }
0x39: {  	_ = 	snop;
	(pc) =	sbr.ind lr, $3  }
0x3a: {  	_ = 	snop  }
0x3b: {  	_ = 	snop  }
0x3c: {  	p2 =	seq.s32 s10, $0x1;
	s10 =	sld [smem:$0x3FB6]  }
0x3d: {  	_ =	shalt  }
0x3e: {  	_ =	shalt  }
0x3f: {  	_ =	shalt  }
0x40: {  	_ =	shalt  }
0x41: {  	_ =	shalt  }
0x42: {  	_ =	shalt  }
0x43: {  	_ =	shalt  }
0x44: {  	_ =	shalt  }
0x45: {  	_ =	shalt  }
0x46: {  	_ =	shalt  }
0x47: {  	_ =	shalt  }
0x48: {  	_ =	shalt  }
0x49: {  	_ =	shalt  }
0x4a: {  	_ =	shalt  }
0x4b: {  	_ =	shalt  }
0x4c: {  	_ =	shalt  }
0x4d: {  	_ =	shalt  }
0x4e: {  	_ =	shalt  }
0x4f: {  	_ =	shalt  }
0x50: {  	_ =	shalt  }
0x51: {  	_ =	shalt  }
0x52: {  	_ =	shalt  }
0x53: {  	_ =	shalt  }
0x54: {  	_ =	shalt  }
0x55: {  	_ =	shalt  }
0x56: {  	_ =	shalt  }
0x57: {  	_ =	shalt  }
0x58: {  	_ =	shalt  }
0x59: {  	_ =	shalt  }
0x5a: {  	_ =	shalt  }
0x5b: {  	_ =	shalt  }
0x5c: {  	_ =	shalt  }
0x5d: {  	_ =	shalt  }
0x5e: {  	_ =	shalt  }
0x5f: {  	_ =	shalt  }
0x60: {  	_ =	shalt  }
0x61: {  	_ =	shalt  }
0x62: {  	_ =	shalt  }
0x63: {  	_ =	shalt  }
0x64: {  	_ =	shalt  }
0x65: {  	_ =	shalt  }
0x66: {  	_ =	shalt  }
0x67: {  	_ =	shalt  }
0x68: {  	_ =	shalt  }
0x69: {  	_ =	shalt  }
0x6a: {  	_ =	shalt  }
0x6b: {  	_ =	shalt  }
0x6c: {  	_ =	shalt  }
0x6d: {  	_ =	shalt  }
0x6e: {  	_ =	shalt  }
0x6f: {  	_ =	shalt  }
0x70: {  	_ =	shalt  }
0x71: {  	_ =	shalt  }
0x72: {  	_ =	shalt  }
0x73: {  	_ =	shalt  }
0x74: {  	_ =	shalt  }
0x75: {  	_ =	shalt  }
0x76: {  	_ =	shalt  }
0x77: {  	_ =	shalt  }
0x78: {  	_ =	shalt  }
0x79: {  	_ =	shalt  }
0x7a: {  	_ =	shalt  }
0x7b: {  	_ =	shalt  }
0x7c: {  	_ =	shalt  }
0x7d: {  	_ =	shalt  }
0x7e: {  	_ =	shalt  }
0x7f: {  	_ =	shalt  }
0x80: {  	_ =	shalt  }
0x81: {  	_ =	shalt  }
0x82: {  	_ =	shalt  }
0x83: {  	_ =	shalt  }
0x84: {  	_ =	shalt  }
0x85: {  	_ =	shalt  }
0x86: {  	_ =	shalt  }
0x87: {  	_ =	shalt  }
.Lfunc_end0:
.L_simem_size_0:
called_computation_lowered:
.L_overlay_start_0:
0x88: {  	s2 =	sld [smem:$0x3FD9]  }
0x89: {  	s3 =	sld [smem:$0x3FFE];
	_ =	sdelay $0x1  }
0x8a: {  	s1 =	srdreg.scid  }
0x8b: {  	s0 =	sand.u32 $0x1, s1  }
0x8c: {  	s17 =	sshll.u32 s0, $0xA;
	s2 =	sadd.s32 s3, s2  }
0x8d: {  	s2 =	sadd.s32 s2, s17  }
0x8e: {  	[smem:$0x3FC2] =	sst s2  }
0x8f: {  	_ = 	snop  }
0x90: {  	s2 =	sld [smem:$0x3FD0];
	(tm) =	ssettm $0x1  }
0x91: {  	s18 =	sld [smem:$0x3FFB];
	_ =	sdelay $0x3  }
0x92: {  	_ =	strace s18  }
0x93: {  	s3 =	sld [smem:$0x3FFC];
	_ =	sdelay $0x3  }
0x94: {  	_ =	strace s3  }
0x95: {  	s3 =	sld [smem:$0x3FFD];
	_ =	sdelay $0x3  }
0x96: {  	_ =	strace s3  }
0x97: {  	_ =	strace $0x8FFFFFFF  }
0x98: {  	s19 =	sld [smem:$0x3FDB];
	_ =	sdelay $0x1  }
0x99: {  	s4 =	simm.s32 $_scs_section_size  }
0x9a: {  	s5 =	simm.s32 $_size__tile_overlayer_lowered;
	s6 =	simm.s32 $_tile_overlayer_lowered  }
0x9b: {  	s22 =	simm.s32 $0x1BFF;
	s21 =	sshll.u32 s6, $0x1;
	s3 =	sadd.s32 s4, s19  }
0x9c: {  	s7 =	simm.s32 $0x0;
	s20 =	sshll.u32 s5, $0x1;
	s5 =	sadd.s32 s21, s3  }
0x9d: {  	[timem:s7], [sflag:s22] =	dma.local [hbm:s5], s20  }
0x9e: {  	_ =	swait.ge [sflag:s22], s20  }
0x9f: {  	s4 =	ssub.s32 $0x0, s20;
	[sflag:s22] =	ssyncset.done $0x0  }
0xa0: {  	[sflag:s22] =	ssyncadd.s32 s4;
	_ =	sdelay $0x1  }
0xa1: {  	s23 =	simm.s32 $0x1B8B  }
0xa2: {  	_ =	swait.ge [sflag:s23], $0x1  }
0xa3: {  	[sflag:s23] =	ssyncset.done $0x0  }
0xa4: {  	s25 =	simm.s32 $0x1B8E;
	s24 =	sld [smem:$0x3FFE];
	[sflag:s23] =	ssyncadd.s32 $0xFFFFFFFF  }
0xa5: {  	s26 =	simm.s32 $execute0_lowered;
	[smem:$0x3FD2] =	sst s25  }
0xa6: {  	s5 =	sshll.u32 s26, $0x1;
	_ =	strace $0x80000046;
	[dreg:$0x1] =	wrdreg $0xFFFFFFFF  }
0xa7: {  	s28 =	simm.s32 $_size_execute0_lowered;
	s3 =	sadd.s32 s3, s5;
	[dreg:$0x0] =	wrdreg $0x0  }
0xa8: {  	s5 =	sshll.u32 s28, $0x1;
	[dreg:$0x2] =	wrdreg s3  }
0xa9: {  	[dreg:$0x3] =	wrdreg s5  }
0xaa: {  	[dreg:$0x4] =	wrdreg $0xC0  }
0xab: {  	_ =	task [dreg:s7], $0x5FFFF  }
0xac: {  	[dreg:$0x1] =	wrdreg $0xFFFFFFFF  }
0xad: {  	[dreg:$0x0] =	wrdreg $0x60  }
0xae: {  	[dreg:$0x2] =	wrdreg s24  }
0xaf: {  	[dreg:$0x3] =	wrdreg s2  }
0xb0: {  	[dreg:$0x4] =	wrdreg $0x9  }
0xb1: {  	_ =	task.clear_ibuf [dreg:s7], $0x5FFFF;
	_ =	strace $0x90000046  }
0xb2: {  	s29 =	simm.s32 $0x9;
	_ =	strace $0x80000048  }
0xb3: {  	_ =	swait.ge [sflag:s29], $0x1  }
0xb4: {  	[sflag:s29] =	ssyncadd.s32 $0xFFFFFFFF  }
0xb5: {  	_ =	strace $0x90000048  }
0xb6: {  	_ =	sfence  }
0xb7: {  	s30 =	sld [smem:$0x0];
	_ =	sdelay $0x2  }
0xb8: {  	s31 =	sshll.u32 s1, $0xD;
	s1 =	sshrl.u32 s1, $0x2  }
0xb9: {  	s3 =	sand.u32 $0x4000, s31;
	s1 =	sadd.s32 s1, s30  }
0xba: {  	s0 =	sor.u32 s3, s0;
	s1 =	sshll.u32 s1, $0x11  }
0xbb: {  	s0 =	sor.u32 s1, s0  }
0xbc: {  	s0 =	sadd.s32 $0x8F2B, s0  }
0xbd: {  	[sflag:s0] =	ssyncadd.remote.s32 $0x1  }
0xbe: {  	_ =	sfence.sel $0xFFFF  }
0xbf: {  	[dreg:$0x0] =	wrdreg $0xFFFFFFFF;
	(pc) =	sbr.abs _section_cstart, $3  }
0xc0: {  	[dreg:$0x1] =	wrdreg $0xFFFFFFFF  }
0xc1: {  	_ =	task.clear_ibuf [dreg:s7], $0x2FFFF;
	_ =	strace $0x9FFFFFFF  }
0xc2: {  	(tm) =	ssettm $0x7FFFFFFF  }
0xc3: {  	_ =	shalt  }
tec
execute0_lowered:
.L_overlay_start_1:
0x0: {  	(tag) =	ssettag $0x1  }
0x1: {  	s0 =	rddreg [dreg:$0x0]  }
0x2: {  	s1 =	rddreg [dreg:$0x1]  }
0x3: {  	s3 =	srdreg.scid;
	s7 =	stileid.u32  }
0x4: {  	s2 =	simm.s32 $0x0;
	s12 =	simm.s32 $0xE900;
	s13 =	simm.s32 $0x11100  }
0x5: {  	s14 =	simm.s32 $0x11900;
	s15 =	simm.s32 $0x12100;
	s16 =	simm.s32 $0x12900  }
0x6: {  	s17 =	simm.s32 $0x13100;
	s18 =	simm.s32 $0x13900;
	s19 =	simm.s32 $0x14100  }
0x7: {  	s20 =	simm.s32 $0x14900;
	s21 =	simm.s32 $0x15100;
	s22 =	simm.s32 $0x15900  }
0x8: {  	s23 =	simm.s32 $0x16100;
	s28 =	simm.s32 $0x18100;
	s29 =	simm.s32 $0x18900  }
0x9: {  	s30 =	simm.s32 $0x19100;
	s31 =	simm.s32 $0x19900;
	s10 =	simm.s32 $0x0  }
0xa: {  	s4 =	sand.u32 $0x1, s3;
	s24 =	sshll.u32 s7, $0x1;
	[smem:$0x7FF] =	sst s2  }
0xb: {  	s7 =	smul.u32 $0x64000, s7;
	s3 =	sor.u32 s4, s24;
	_ =	strace $0x80000047  }
0xc: {  	s6 =	ssub.s32 $0x2, s4;
	s4 =	smul.u32 $0x32000, s4;
	s24 =	simm.s32 $0x16900  }
0xd: {  	s5 =	smul.u32 $0x1900, s3;
	s3 =	sadd.s32 $0x7400, s0;
	s8 =	sshrl.u32 s6, $0x1  }
0xe: {  	s1 =	sadd.s32 s7, s1;
	s7 =	simm.s32 $0x3;
	s25 =	ssub.s32 s6, s8  }
.Ltmp0:
0xf: {  	s6 =	sadd.s32 s4, s1;
	s8 =	simm.s32 $0x1900;
	(pc) =	sbr.rel .LBB2_1-.Ltmp0, $4  }
0x10: {  	s4 =	simm.s32 $0xE100;
	s1 =	simm.s32 $0x1;
	s5 =	sshrl.u32 s5, $0x3  }
0x11: {  	v2 =	vlaneseq.u32;
	s26 =	smax.u32 s25, $0x1;
	s25 =	simm.s32 $0x17100;
	s0 =	sadd.s32 s5, s0  }
0x12: {  	vm0 =	vmmov $0xffff;
	v1 =	vshrl.u32 v2, $0x3;
	[dreg:$0x4] =	wrdreg s26;
	s26 =	simm.s32 $0x17900;
	s0 =	sadd.s32 $0x1000, s0  }
0x13: {  	v0 =	vand.u32 $0x7, v2;
	v2 =	vor.u32 $0x8, v2;
	v1 =	vmul.u32 $0x8, v1;
	s5 =	simm.s32 $0x2;
	[dreg:$0x3] =	wrdreg s0;
	s0 =	simm.s32 $0x1A100  }
.LBB2_6:
0x14: {  	s10 =	rddreg [dreg:$0x5]  }
0x15: {  	s9 =	rddreg [dreg:$0x4];
	s10 =	sadd.s32 $0x1, s10  }
0x16: {  	p0 =	sne.s32 s10, s9  }
.Ltmp1:
0x17: {  	_ = 	snop;
	(pc) =	sbr.rel @!p0 .LBB2_7-.Ltmp1, $1  }
0x18: {  	_ =	sdelay $0x3  }
.LBB2_1:
0x19: {  	[dreg:$0x5] =	wrdreg s10  }
0x1a: {  	s9 =	rddreg [dreg:$0x3]  }
0x1b: {  	[tilespmem:s2], [sflag:$0x3] =	stream.linear.gather [hbm4b:s9+s2], $0x1900, $0x38;
	[tilespmem:$0x1A900] =	vst v63  }
0x1c: {  	_ =	swait.ge [sflag:s7], $0x1900  }
0x1d: {  	[sflag:s7] =	ssyncset.done $0x0  }
0x1e: {  	[sflag:s7] =	ssyncadd.s32 $0xFFFFE700  }
0x1f: {  	v3 =	vld [tilespmem:$0x0];
	_ =	sdelay $0x4  }
0x20: {  	v4 =	vshll.u32 v3, $0x1  }
0x21: {  	v3 =	vand.u32 $0x7, v3;
	v4 =	vand.u32 $0xFFFFFFF0, v4  }
0x22: {  	v3 =	vor.u32 v3, v4  }
0x23: {  	v4 =	vperm.xlane v3, v0;
	_ =	sdelay $0x1  }
0x24: {  	v3 =	vperm.xlane v3, v2;
	v4 =	vadd.s32 v1, v4;
	_ =	sdelay $0x1  }
0x25: {  	v3 =	vadd.s32 v1, v3;
	_ =	sdelay $0x2  }
0x26: {  	[tilespmem:s8], [sflag:$0x1] =	stream.indirect_vreg.gather [hbm4b:s3+s2], $0x80, v4, vm0, $0xb8;
	[tilespmem:$0x1A900] =	vst v63  }
0x27: {  	s10 =	simm.s32 $0x2100  }
0x28: {  	[tilespmem:s10], [sflag:$0x1] =	stream.indirect_vreg.gather [hbm4b:s3+s2], $0x80, v3, vm0, $0xb8;
	[tilespmem:$0x1A900] =	vst v63  }
0x29: {  	v3 =	vld [tilespmem:$0x10];
	_ =	sdelay $0x4  }
0x2a: {  	v39 =	vshll.u32 v3, $0x1  }
0x2b: {  	v3 =	vand.u32 $0x7, v3;
	v4 =	vand.u32 $0xFFFFFFF0, v39  }
0x2c: {  	v3 =	vor.u32 v3, v4  }
0x2d: {  	v4 =	vperm.xlane v3, v0;
	_ =	sdelay $0x1  }
0x2e: {  	v3 =	vperm.xlane v3, v2;
	v4 =	vadd.s32 v1, v4;
	_ =	sdelay $0x1  }
0x2f: {  	v3 =	vadd.s32 v1, v3;
	_ =	sdelay $0x1  }
0x30: {  	s11 =	simm.s32 $0x2900  }
0x31: {  	[tilespmem:s11], [sflag:$0x1] =	stream.indirect_vreg.gather [hbm4b:s3+s2], $0x80, v4, vm0, $0xb8;
	[tilespmem:$0x1A900] =	vst v63  }
0x32: {  	s10 =	simm.s32 $0x3100  }
0x33: {  	[tilespmem:s10], [sflag:$0x1] =	stream.indirect_vreg.gather [hbm4b:s3+s2], $0x80, v3, vm0, $0xb8;
	[tilespmem:$0x1A900] =	vst v63  }
0x34: {  	v3 =	vld [tilespmem:$0x20];
	_ =	sdelay $0x4  }
0x35: {  	v40 =	vshll.u32 v3, $0x1  }
0x36: {  	v3 =	vand.u32 $0x7, v3;
	v4 =	vand.u32 $0xFFFFFFF0, v40  }
0x37: {  	v3 =	vor.u32 v3, v4  }
0x38: {  	v4 =	vperm.xlane v3, v0;
	_ =	sdelay $0x1  }
0x39: {  	v3 =	vperm.xlane v3, v2;
	v4 =	vadd.s32 v1, v4;
	_ =	sdelay $0x1  }
0x3a: {  	v3 =	vadd.s32 v1, v3;
	_ =	sdelay $0x1  }
0x3b: {  	s11 =	simm.s32 $0x3900  }
0x3c: {  	[tilespmem:s11], [sflag:$0x1] =	stream.indirect_vreg.gather [hbm4b:s3+s2], $0x80, v4, vm0, $0xb8;
	[tilespmem:$0x1A900] =	vst v63  }
0x3d: {  	s10 =	simm.s32 $0x4100  }
0x3e: {  	[tilespmem:s10], [sflag:$0x1] =	stream.indirect_vreg.gather [hbm4b:s3+s2], $0x80, v3, vm0, $0xb8;
	[tilespmem:$0x1A900] =	vst v63  }
0x3f: {  	v3 =	vld [tilespmem:$0x30];
	_ =	sdelay $0x4  }
0x40: {  	v41 =	vshll.u32 v3, $0x1  }
0x41: {  	v3 =	vand.u32 $0x7, v3;
	v4 =	vand.u32 $0xFFFFFFF0, v41  }
0x42: {  	v3 =	vor.u32 v3, v4  }
0x43: {  	v4 =	vperm.xlane v3, v0;
	_ =	sdelay $0x1  }
0x44: {  	v3 =	vperm.xlane v3, v2;
	v4 =	vadd.s32 v1, v4;
	_ =	sdelay $0x1  }
0x45: {  	v3 =	vadd.s32 v1, v3;
	_ =	sdelay $0x1  }
0x46: {  	s11 =	simm.s32 $0x4900  }
0x47: {  	[tilespmem:s11], [sflag:$0x1] =	stream.indirect_vreg.gather [hbm4b:s3+s2], $0x80, v4, vm0, $0xb8;
	[tilespmem:$0x1A900] =	vst v63  }
0x48: {  	s10 =	simm.s32 $0x5100  }
0x49: {  	[tilespmem:s10], [sflag:$0x1] =	stream.indirect_vreg.gather [hbm4b:s3+s2], $0x80, v3, vm0, $0xb8;
	[tilespmem:$0x1A900] =	vst v63  }
0x4a: {  	v3 =	vld [tilespmem:$0x40];
	_ =	sdelay $0x4  }
0x4b: {  	v42 =	vshll.u32 v3, $0x1  }
0x4c: {  	v3 =	vand.u32 $0x7, v3;
	v4 =	vand.u32 $0xFFFFFFF0, v42  }
0x4d: {  	v3 =	vor.u32 v3, v4  }
0x4e: {  	v4 =	vperm.xlane v3, v0;
	_ =	sdelay $0x1  }
0x4f: {  	v3 =	vperm.xlane v3, v2;
	v4 =	vadd.s32 v1, v4;
	_ =	sdelay $0x1  }
0x50: {  	v3 =	vadd.s32 v1, v3;
	_ =	sdelay $0x1  }
0x51: {  	s11 =	simm.s32 $0x5900  }
0x52: {  	[tilespmem:s11], [sflag:$0x1] =	stream.indirect_vreg.gather [hbm4b:s3+s2], $0x80, v4, vm0, $0xb8;
	[tilespmem:$0x1A900] =	vst v63  }
0x53: {  	s10 =	simm.s32 $0x6100  }
0x54: {  	[tilespmem:s10], [sflag:$0x1] =	stream.indirect_vreg.gather [hbm4b:s3+s2], $0x80, v3, vm0, $0xb8;
	[tilespmem:$0x1A900] =	vst v63  }
0x55: {  	v3 =	vld [tilespmem:$0x50];
	_ =	sdelay $0x4  }
0x56: {  	v43 =	vshll.u32 v3, $0x1  }
0x57: {  	v3 =	vand.u32 $0x7, v3;
	v4 =	vand.u32 $0xFFFFFFF0, v43  }
0x58: {  	v3 =	vor.u32 v3, v4  }
0x59: {  	v4 =	vperm.xlane v3, v0;
	_ =	sdelay $0x1  }
0x5a: {  	v3 =	vperm.xlane v3, v2;
	v4 =	vadd.s32 v1, v4;
	_ =	sdelay $0x1  }
0x5b: {  	v3 =	vadd.s32 v1, v3;
	_ =	sdelay $0x1  }
0x5c: {  	s11 =	simm.s32 $0x6900  }
0x5d: {  	[tilespmem:s11], [sflag:$0x1] =	stream.indirect_vreg.gather [hbm4b:s3+s2], $0x80, v4, vm0, $0xb8;
	[tilespmem:$0x1A900] =	vst v63  }
0x5e: {  	s10 =	simm.s32 $0x7100  }
0x5f: {  	[tilespmem:s10], [sflag:$0x1] =	stream.indirect_vreg.gather [hbm4b:s3+s2], $0x80, v3, vm0, $0xb8;
	[tilespmem:$0x1A900] =	vst v63  }
0x60: {  	v3 =	vld [tilespmem:$0x60];
	_ =	sdelay $0x4  }
0x61: {  	v44 =	vshll.u32 v3, $0x1  }
0x62: {  	v3 =	vand.u32 $0x7, v3;
	v4 =	vand.u32 $0xFFFFFFF0, v44  }
0x63: {  	v3 =	vor.u32 v3, v4  }
0x64: {  	v4 =	vperm.xlane v3, v0;
	_ =	sdelay $0x1  }
0x65: {  	v3 =	vperm.xlane v3, v2;
	v4 =	vadd.s32 v1, v4;
	_ =	sdelay $0x1  }
0x66: {  	v3 =	vadd.s32 v1, v3;
	_ =	sdelay $0x1  }
0x67: {  	s11 =	simm.s32 $0x7900  }
0x68: {  	[tilespmem:s11], [sflag:$0x1] =	stream.indirect_vreg.gather [hbm4b:s3+s2], $0x80, v4, vm0, $0xb8;
	[tilespmem:$0x1A900] =	vst v63  }
0x69: {  	s10 =	simm.s32 $0x8100  }
0x6a: {  	[tilespmem:s10], [sflag:$0x1] =	stream.indirect_vreg.gather [hbm4b:s3+s2], $0x80, v3, vm0, $0xb8;
	[tilespmem:$0x1A900] =	vst v63  }
0x6b: {  	v3 =	vld [tilespmem:$0x70];
	_ =	sdelay $0x4  }
0x6c: {  	v45 =	vshll.u32 v3, $0x1  }
0x6d: {  	v3 =	vand.u32 $0x7, v3;
	v4 =	vand.u32 $0xFFFFFFF0, v45  }
0x6e: {  	v3 =	vor.u32 v3, v4  }
0x6f: {  	v4 =	vperm.xlane v3, v0;
	_ =	sdelay $0x1  }
0x70: {  	v3 =	vperm.xlane v3, v2;
	v4 =	vadd.s32 v1, v4;
	_ =	sdelay $0x1  }
0x71: {  	v3 =	vadd.s32 v1, v3;
	_ =	sdelay $0x1  }
0x72: {  	s11 =	simm.s32 $0x8900  }
0x73: {  	[tilespmem:s11], [sflag:$0x1] =	stream.indirect_vreg.gather [hbm4b:s3+s2], $0x80, v4, vm0, $0xb8;
	[tilespmem:$0x1A900] =	vst v63  }
0x74: {  	s10 =	simm.s32 $0x9100  }
0x75: {  	[tilespmem:s10], [sflag:$0x1] =	stream.indirect_vreg.gather [hbm4b:s3+s2], $0x80, v3, vm0, $0xb8;
	[tilespmem:$0x1A900] =	vst v63  }
0x76: {  	v3 =	vld [tilespmem:$0x80];
	_ =	sdelay $0x4  }
0x77: {  	v46 =	vshll.u32 v3, $0x1  }
0x78: {  	v3 =	vand.u32 $0x7, v3;
	v4 =	vand.u32 $0xFFFFFFF0, v46  }
0x79: {  	v3 =	vor.u32 v3, v4  }
0x7a: {  	v4 =	vperm.xlane v3, v0;
	_ =	sdelay $0x1  }
0x7b: {  	v3 =	vperm.xlane v3, v2;
	v4 =	vadd.s32 v1, v4;
	_ =	sdelay $0x1  }
0x7c: {  	v3 =	vadd.s32 v1, v3;
	_ =	sdelay $0x1  }
0x7d: {  	s11 =	simm.s32 $0x9900  }
0x7e: {  	[tilespmem:s11], [sflag:$0x1] =	stream.indirect_vreg.gather [hbm4b:s3+s2], $0x80, v4, vm0, $0xb8;
	[tilespmem:$0x1A900] =	vst v63  }
0x7f: {  	s10 =	simm.s32 $0xA100  }
0x80: {  	[tilespmem:s10], [sflag:$0x1] =	stream.indirect_vreg.gather [hbm4b:s3+s2], $0x80, v3, vm0, $0xb8;
	[tilespmem:$0x1A900] =	vst v63  }
0x81: {  	v3 =	vld [tilespmem:$0x90];
	_ =	sdelay $0x4  }
0x82: {  	v47 =	vshll.u32 v3, $0x1  }
0x83: {  	v3 =	vand.u32 $0x7, v3;
	v4 =	vand.u32 $0xFFFFFFF0, v47  }
0x84: {  	v3 =	vor.u32 v3, v4  }
0x85: {  	v4 =	vperm.xlane v3, v0;
	_ =	sdelay $0x1  }
0x86: {  	v3 =	vperm.xlane v3, v2;
	v4 =	vadd.s32 v1, v4;
	_ =	sdelay $0x1  }
0x87: {  	v3 =	vadd.s32 v1, v3;
	_ =	sdelay $0x1  }
0x88: {  	s11 =	simm.s32 $0xA900  }
0x89: {  	[tilespmem:s11], [sflag:$0x1] =	stream.indirect_vreg.gather [hbm4b:s3+s2], $0x80, v4, vm0, $0xb8;
	[tilespmem:$0x1A900] =	vst v63  }
0x8a: {  	s10 =	simm.s32 $0xB100  }
0x8b: {  	[tilespmem:s10], [sflag:$0x1] =	stream.indirect_vreg.gather [hbm4b:s3+s2], $0x80, v3, vm0, $0xb8;
	[tilespmem:$0x1A900] =	vst v63  }
0x8c: {  	v3 =	vld [tilespmem:$0xA0];
	_ =	sdelay $0x4  }
0x8d: {  	v48 =	vshll.u32 v3, $0x1  }
0x8e: {  	v3 =	vand.u32 $0x7, v3;
	v4 =	vand.u32 $0xFFFFFFF0, v48  }
0x8f: {  	v3 =	vor.u32 v3, v4  }
0x90: {  	v4 =	vperm.xlane v3, v0;
	_ =	sdelay $0x1  }
0x91: {  	v3 =	vperm.xlane v3, v2;
	v4 =	vadd.s32 v1, v4;
	_ =	sdelay $0x1  }
0x92: {  	v3 =	vadd.s32 v1, v3;
	_ =	sdelay $0x1  }
0x93: {  	s11 =	simm.s32 $0xB900  }
0x94: {  	[tilespmem:s11], [sflag:$0x1] =	stream.indirect_vreg.gather [hbm4b:s3+s2], $0x80, v4, vm0, $0xb8;
	[tilespmem:$0x1A900] =	vst v63  }
0x95: {  	s10 =	simm.s32 $0xC100  }
0x96: {  	[tilespmem:s10], [sflag:$0x1] =	stream.indirect_vreg.gather [hbm4b:s3+s2], $0x80, v3, vm0, $0xb8;
	[tilespmem:$0x1A900] =	vst v63  }
0x97: {  	v3 =	vld [tilespmem:$0xB0];
	_ =	sdelay $0x4  }
0x98: {  	v49 =	vshll.u32 v3, $0x1  }
0x99: {  	v3 =	vand.u32 $0x7, v3;
	v4 =	vand.u32 $0xFFFFFFF0, v49  }
0x9a: {  	v3 =	vor.u32 v3, v4  }
0x9b: {  	v4 =	vperm.xlane v3, v0;
	_ =	sdelay $0x1  }
0x9c: {  	v3 =	vperm.xlane v3, v2;
	v4 =	vadd.s32 v1, v4;
	_ =	sdelay $0x1  }
0x9d: {  	v3 =	vadd.s32 v1, v3;
	_ =	sdelay $0x1  }
0x9e: {  	s11 =	simm.s32 $0xC900  }
0x9f: {  	[tilespmem:s11], [sflag:$0x1] =	stream.indirect_vreg.gather [hbm4b:s3+s2], $0x80, v4, vm0, $0xb8;
	[tilespmem:$0x1A900] =	vst v63  }
0xa0: {  	s10 =	simm.s32 $0xD100  }
0xa1: {  	[tilespmem:s10], [sflag:$0x1] =	stream.indirect_vreg.gather [hbm4b:s3+s2], $0x80, v3, vm0, $0xb8;
	[tilespmem:$0x1A900] =	vst v63  }
0xa2: {  	v3 =	vld.msk [tilespmem:$0xC0], $0xff;
	_ =	sdelay $0x4  }
0xa3: {  	v50 =	vshll.u32 v3, $0x1  }
0xa4: {  	v3 =	vand.u32 $0x7, v3;
	v4 =	vand.u32 $0xFFFFFFF0, v50  }
0xa5: {  	v3 =	vor.u32 v3, v4  }
0xa6: {  	v3 =	vperm.xlane v3, v0;
	_ =	sdelay $0x1  }
0xa7: {  	v3 =	vadd.s32 v1, v3;
	_ =	sdelay $0x3  }
0xa8: {  	s11 =	simm.s32 $0xD900  }
0xa9: {  	[tilespmem:s11], [sflag:$0x1] =	stream.indirect_vreg.gather [hbm4b:s3+s2], $0x80, v3, vm0, $0xb8;
	[tilespmem:$0x1A900] =	vst v63  }
0xaa: {  	v3 =	vld [tilespmem:$0xC8];
	_ =	sdelay $0x4  }
0xab: {  	v51 =	vshll.u32 v3, $0x1  }
0xac: {  	v3 =	vand.u32 $0x7, v3;
	v4 =	vand.u32 $0xFFFFFFF0, v51  }
0xad: {  	v3 =	vor.u32 v3, v4  }
0xae: {  	v4 =	vperm.xlane v3, v0;
	_ =	sdelay $0x1  }
0xaf: {  	v3 =	vperm.xlane v3, v2;
	v4 =	vadd.s32 v1, v4;
	_ =	sdelay $0x1  }
0xb0: {  	v3 =	vadd.s32 v1, v3;
	_ =	sdelay $0x2  }
0xb1: {  	[tilespmem:s4], [sflag:$0x2] =	stream.indirect_vreg.gather [hbm4b:s3+s2], $0x80, v4, vm0, $0xb8;
	[tilespmem:$0x1A900] =	vst v63  }
0xb2: {  	_ = 	snop  }
0xb3: {  	[tilespmem:s12], [sflag:$0x2] =	stream.indirect_vreg.gather [hbm4b:s3+s2], $0x80, v3, vm0, $0xb8;
	[tilespmem:$0x1A900] =	vst v63  }
0xb4: {  	v3 =	vld [tilespmem:$0xD8];
	_ =	sdelay $0x4  }
0xb5: {  	v52 =	vshll.u32 v3, $0x1  }
0xb6: {  	v3 =	vand.u32 $0x7, v3;
	v4 =	vand.u32 $0xFFFFFFF0, v52  }
0xb7: {  	v3 =	vor.u32 v3, v4  }
0xb8: {  	v4 =	vperm.xlane v3, v0;
	_ =	sdelay $0x1  }
0xb9: {  	v3 =	vperm.xlane v3, v2;
	v4 =	vadd.s32 v1, v4;
	_ =	sdelay $0x1  }
0xba: {  	v3 =	vadd.s32 v1, v3;
	_ =	sdelay $0x1  }
0xbb: {  	s10 =	simm.s32 $0xF100  }
0xbc: {  	[tilespmem:s10], [sflag:$0x2] =	stream.indirect_vreg.gather [hbm4b:s3+s2], $0x80, v4, vm0, $0xb8;
	[tilespmem:$0x1A900] =	vst v63  }
0xbd: {  	s11 =	simm.s32 $0xF900  }
0xbe: {  	[tilespmem:s11], [sflag:$0x2] =	stream.indirect_vreg.gather [hbm4b:s3+s2], $0x80, v3, vm0, $0xb8;
	[tilespmem:$0x1A900] =	vst v63  }
0xbf: {  	v3 =	vld [tilespmem:$0xE8];
	_ =	sdelay $0x4  }
0xc0: {  	v53 =	vshll.u32 v3, $0x1  }
0xc1: {  	v3 =	vand.u32 $0x7, v3;
	v4 =	vand.u32 $0xFFFFFFF0, v53  }
0xc2: {  	v3 =	vor.u32 v3, v4  }
0xc3: {  	v4 =	vperm.xlane v3, v0;
	_ =	sdelay $0x1  }
0xc4: {  	v3 =	vperm.xlane v3, v2;
	v4 =	vadd.s32 v1, v4;
	_ =	sdelay $0x1  }
0xc5: {  	v3 =	vadd.s32 v1, v3;
	_ =	sdelay $0x1  }
0xc6: {  	s10 =	simm.s32 $0x10100  }
0xc7: {  	[tilespmem:s10], [sflag:$0x2] =	stream.indirect_vreg.gather [hbm4b:s3+s2], $0x80, v4, vm0, $0xb8;
	[tilespmem:$0x1A900] =	vst v63  }
0xc8: {  	s11 =	simm.s32 $0x10900  }
0xc9: {  	[tilespmem:s11], [sflag:$0x2] =	stream.indirect_vreg.gather [hbm4b:s3+s2], $0x80, v3, vm0, $0xb8;
	[tilespmem:$0x1A900] =	vst v63  }
0xca: {  	v3 =	vld [tilespmem:$0xF8];
	_ =	sdelay $0x4  }
0xcb: {  	v54 =	vshll.u32 v3, $0x1  }
0xcc: {  	v3 =	vand.u32 $0x7, v3;
	v4 =	vand.u32 $0xFFFFFFF0, v54  }
0xcd: {  	v3 =	vor.u32 v3, v4  }
0xce: {  	v4 =	vperm.xlane v3, v0;
	_ =	sdelay $0x1  }
0xcf: {  	v3 =	vperm.xlane v3, v2;
	v4 =	vadd.s32 v1, v4;
	_ =	sdelay $0x1  }
0xd0: {  	v3 =	vadd.s32 v1, v3;
	_ =	sdelay $0x2  }
0xd1: {  	[tilespmem:s13], [sflag:$0x2] =	stream.indirect_vreg.gather [hbm4b:s3+s2], $0x80, v4, vm0, $0xb8;
	[tilespmem:$0x1A900] =	vst v63  }
0xd2: {  	_ = 	snop  }
0xd3: {  	[tilespmem:s14], [sflag:$0x2] =	stream.indirect_vreg.gather [hbm4b:s3+s2], $0x80, v3, vm0, $0xb8;
	[tilespmem:$0x1A900] =	vst v63  }
0xd4: {  	v3 =	vld [tilespmem:$0x108];
	_ =	sdelay $0x4  }
0xd5: {  	v55 =	vshll.u32 v3, $0x1  }
0xd6: {  	v3 =	vand.u32 $0x7, v3;
	v4 =	vand.u32 $0xFFFFFFF0, v55  }
0xd7: {  	v3 =	vor.u32 v3, v4  }
0xd8: {  	v4 =	vperm.xlane v3, v0;
	_ =	sdelay $0x1  }
0xd9: {  	v3 =	vperm.xlane v3, v2;
	v4 =	vadd.s32 v1, v4;
	_ =	sdelay $0x1  }
0xda: {  	v3 =	vadd.s32 v1, v3;
	_ =	sdelay $0x2  }
0xdb: {  	[tilespmem:s15], [sflag:$0x2] =	stream.indirect_vreg.gather [hbm4b:s3+s2], $0x80, v4, vm0, $0xb8;
	[tilespmem:$0x1A900] =	vst v63  }
0xdc: {  	_ = 	snop  }
0xdd: {  	[tilespmem:s16], [sflag:$0x2] =	stream.indirect_vreg.gather [hbm4b:s3+s2], $0x80, v3, vm0, $0xb8;
	[tilespmem:$0x1A900] =	vst v63  }
0xde: {  	v3 =	vld [tilespmem:$0x118];
	_ =	sdelay $0x4  }
0xdf: {  	v56 =	vshll.u32 v3, $0x1  }
0xe0: {  	v3 =	vand.u32 $0x7, v3;
	v4 =	vand.u32 $0xFFFFFFF0, v56  }
0xe1: {  	v3 =	vor.u32 v3, v4  }
0xe2: {  	v4 =	vperm.xlane v3, v0;
	_ =	sdelay $0x1  }
0xe3: {  	v3 =	vperm.xlane v3, v2;
	v4 =	vadd.s32 v1, v4;
	_ =	sdelay $0x1  }
0xe4: {  	v3 =	vadd.s32 v1, v3;
	_ =	sdelay $0x2  }
0xe5: {  	[tilespmem:s17], [sflag:$0x2] =	stream.indirect_vreg.gather [hbm4b:s3+s2], $0x80, v4, vm0, $0xb8;
	[tilespmem:$0x1A900] =	vst v63  }
0xe6: {  	_ = 	snop  }
0xe7: {  	[tilespmem:s18], [sflag:$0x2] =	stream.indirect_vreg.gather [hbm4b:s3+s2], $0x80, v3, vm0, $0xb8;
	[tilespmem:$0x1A900] =	vst v63  }
0xe8: {  	v3 =	vld [tilespmem:$0x128];
	_ =	sdelay $0x4  }
0xe9: {  	v57 =	vshll.u32 v3, $0x1  }
0xea: {  	v3 =	vand.u32 $0x7, v3;
	v4 =	vand.u32 $0xFFFFFFF0, v57  }
0xeb: {  	v3 =	vor.u32 v3, v4  }
0xec: {  	v4 =	vperm.xlane v3, v0;
	_ =	sdelay $0x1  }
0xed: {  	v3 =	vperm.xlane v3, v2;
	v4 =	vadd.s32 v1, v4;
	_ =	sdelay $0x1  }
0xee: {  	v3 =	vadd.s32 v1, v3;
	_ =	sdelay $0x2  }
0xef: {  	[tilespmem:s19], [sflag:$0x2] =	stream.indirect_vreg.gather [hbm4b:s3+s2], $0x80, v4, vm0, $0xb8;
	[tilespmem:$0x1A900] =	vst v63  }
0xf0: {  	_ = 	snop  }
0xf1: {  	[tilespmem:s20], [sflag:$0x2] =	stream.indirect_vreg.gather [hbm4b:s3+s2], $0x80, v3, vm0, $0xb8;
	[tilespmem:$0x1A900] =	vst v63  }
0xf2: {  	v3 =	vld [tilespmem:$0x138];
	_ =	sdelay $0x4  }
0xf3: {  	v58 =	vshll.u32 v3, $0x1  }
0xf4: {  	v3 =	vand.u32 $0x7, v3;
	v4 =	vand.u32 $0xFFFFFFF0, v58  }
0xf5: {  	v3 =	vor.u32 v3, v4  }
0xf6: {  	v4 =	vperm.xlane v3, v0;
	_ =	sdelay $0x1  }
0xf7: {  	v3 =	vperm.xlane v3, v2;
	v4 =	vadd.s32 v1, v4;
	_ =	sdelay $0x1  }
0xf8: {  	v3 =	vadd.s32 v1, v3;
	_ =	sdelay $0x2  }
0xf9: {  	[tilespmem:s21], [sflag:$0x2] =	stream.indirect_vreg.gather [hbm4b:s3+s2], $0x80, v4, vm0, $0xb8;
	[tilespmem:$0x1A900] =	vst v63  }
0xfa: {  	_ = 	snop  }
0xfb: {  	[tilespmem:s22], [sflag:$0x2] =	stream.indirect_vreg.gather [hbm4b:s3+s2], $0x80, v3, vm0, $0xb8;
	[tilespmem:$0x1A900] =	vst v63  }
0xfc: {  	v3 =	vld [tilespmem:$0x148];
	_ =	sdelay $0x4  }
0xfd: {  	v59 =	vshll.u32 v3, $0x1  }
0xfe: {  	v3 =	vand.u32 $0x7, v3;
	v4 =	vand.u32 $0xFFFFFFF0, v59  }
0xff: {  	v3 =	vor.u32 v3, v4  }
0x100: {  	v4 =	vperm.xlane v3, v0;
	_ =	sdelay $0x1  }
0x101: {  	v3 =	vperm.xlane v3, v2;
	v4 =	vadd.s32 v1, v4;
	_ =	sdelay $0x1  }
0x102: {  	v3 =	vadd.s32 v1, v3;
	_ =	sdelay $0x2  }
0x103: {  	[tilespmem:s23], [sflag:$0x2] =	stream.indirect_vreg.gather [hbm4b:s3+s2], $0x80, v4, vm0, $0xb8;
	[tilespmem:$0x1A900] =	vst v63  }
0x104: {  	_ = 	snop  }
0x105: {  	[tilespmem:s24], [sflag:$0x2] =	stream.indirect_vreg.gather [hbm4b:s3+s2], $0x80, v3, vm0, $0xb8;
	[tilespmem:$0x1A900] =	vst v63  }
0x106: {  	v3 =	vld [tilespmem:$0x158];
	_ =	sdelay $0x4  }
0x107: {  	v60 =	vshll.u32 v3, $0x1  }
0x108: {  	v3 =	vand.u32 $0x7, v3;
	v4 =	vand.u32 $0xFFFFFFF0, v60  }
0x109: {  	v3 =	vor.u32 v3, v4  }
0x10a: {  	v4 =	vperm.xlane v3, v0;
	_ =	sdelay $0x1  }
0x10b: {  	v3 =	vperm.xlane v3, v2;
	v4 =	vadd.s32 v1, v4;
	_ =	sdelay $0x1  }
0x10c: {  	v3 =	vadd.s32 v1, v3;
	_ =	sdelay $0x2  }
0x10d: {  	[tilespmem:s25], [sflag:$0x2] =	stream.indirect_vreg.gather [hbm4b:s3+s2], $0x80, v4, vm0, $0xb8;
	[tilespmem:$0x1A900] =	vst v63  }
0x10e: {  	_ = 	snop  }
0x10f: {  	[tilespmem:s26], [sflag:$0x2] =	stream.indirect_vreg.gather [hbm4b:s3+s2], $0x80, v3, vm0, $0xb8;
	[tilespmem:$0x1A900] =	vst v63  }
0x110: {  	v3 =	vld [tilespmem:$0x168];
	_ =	sdelay $0x4  }
0x111: {  	v61 =	vshll.u32 v3, $0x1  }
0x112: {  	v3 =	vand.u32 $0x7, v3;
	v4 =	vand.u32 $0xFFFFFFF0, v61  }
0x113: {  	v3 =	vor.u32 v3, v4  }
0x114: {  	v4 =	vperm.xlane v3, v0;
	_ =	sdelay $0x1  }
0x115: {  	v3 =	vperm.xlane v3, v2;
	v4 =	vadd.s32 v1, v4;
	_ =	sdelay $0x1  }
0x116: {  	v3 =	vadd.s32 v1, v3;
	_ =	sdelay $0x2  }
0x117: {  	[tilespmem:s28], [sflag:$0x2] =	stream.indirect_vreg.gather [hbm4b:s3+s2], $0x80, v4, vm0, $0xb8;
	[tilespmem:$0x1A900] =	vst v63  }
0x118: {  	_ = 	snop  }
0x119: {  	[tilespmem:s29], [sflag:$0x2] =	stream.indirect_vreg.gather [hbm4b:s3+s2], $0x80, v3, vm0, $0xb8;
	[tilespmem:$0x1A900] =	vst v63  }
0x11a: {  	v3 =	vld [tilespmem:$0x178];
	_ =	sdelay $0x4  }
0x11b: {  	v62 =	vshll.u32 v3, $0x1  }
0x11c: {  	v3 =	vand.u32 $0x7, v3;
	v4 =	vand.u32 $0xFFFFFFF0, v62  }
0x11d: {  	v3 =	vor.u32 v3, v4  }
0x11e: {  	v4 =	vperm.xlane v3, v0;
	_ =	sdelay $0x1  }
0x11f: {  	v3 =	vperm.xlane v3, v2;
	v4 =	vadd.s32 v1, v4;
	_ =	sdelay $0x1  }
0x120: {  	v3 =	vadd.s32 v1, v3;
	_ =	sdelay $0x2  }
0x121: {  	[tilespmem:s30], [sflag:$0x2] =	stream.indirect_vreg.gather [hbm4b:s3+s2], $0x80, v4, vm0, $0xb8;
	[tilespmem:$0x1A900] =	vst v63  }
0x122: {  	_ = 	snop  }
0x123: {  	[tilespmem:s31], [sflag:$0x2] =	stream.indirect_vreg.gather [hbm4b:s3+s2], $0x80, v3, vm0, $0xb8;
	[tilespmem:$0x1A900] =	vst v63  }
0x124: {  	v3 =	vld.msk [tilespmem:$0x188], $0xff;
	_ =	sdelay $0x4  }
0x125: {  	v63 =	vshll.u32 v3, $0x1  }
0x126: {  	v3 =	vand.u32 $0x7, v3;
	v4 =	vand.u32 $0xFFFFFFF0, v63  }
0x127: {  	v3 =	vor.u32 v3, v4  }
0x128: {  	v3 =	vperm.xlane v3, v0;
	_ =	sdelay $0x1  }
0x129: {  	v3 =	vadd.s32 v1, v3;
	_ =	sdelay $0x3  }
0x12a: {  	s9 =	simm.s32 $0x318;
	s10 =	simm.s32 $0x0  }
0x12b: {  	[tilespmem:s0], [sflag:$0x2] =	stream.indirect_vreg.gather [hbm4b:s3+s2], $0x80, v3, vm0, $0xb8;
	[tilespmem:$0x1A900] =	vst v63  }
.LBB2_2:
0x12c: {  	_ =	swait.ge [sflag:s1], $0xC800  }
0x12d: {  	p0 =	seq.s32 s10, $0x2EE00;
	[sflag:s1] =	ssyncset.done $0x0  }
.Ltmp2:
0x12e: {  	s11 =	sadd.s32 s10, s6;
	[sflag:s1] =	ssyncadd.s32 $0xFFFF3800;
	(pc) =	sbr.rel @p0 .LBB2_4-.Ltmp2, $4  }
0x12f: {  	[hbm4b:s11+s2] =	stream.linear.scatter [tilespmem:s8], [sflag:$0x3], $0xC800, $0x38;
	[tilespmem:$0x1A900] =	vst v63  }
0x130: {  	_ =	swait.ge [sflag:s7], $0xC800  }
0x131: {  	[sflag:s7] =	ssyncset.done $0x0  }
0x132: {  	[sflag:s7] =	ssyncadd.s32 $0xFFFF3800  }
0x133: {  	v3 =	vld [tilespmem:s9+$0xFFFFFE78];
	_ =	sdelay $0x4  }
0x134: {  	v4 =	vshll.u32 v3, $0x1  }
0x135: {  	v3 =	vand.u32 $0x7, v3;
	v4 =	vand.u32 $0xFFFFFFF0, v4  }
0x136: {  	v3 =	vor.u32 v3, v4  }
0x137: {  	v4 =	vperm.xlane v3, v0;
	_ =	sdelay $0x1  }
0x138: {  	v3 =	vperm.xlane v3, v2;
	v4 =	vadd.s32 v1, v4;
	_ =	sdelay $0x1  }
0x139: {  	v3 =	vadd.s32 v1, v3;
	_ =	sdelay $0x2  }
0x13a: {  	[tilespmem:s8], [sflag:$0x1] =	stream.indirect_vreg.gather [hbm4b:s3+s2], $0x80, v4, vm0, $0xb8;
	[tilespmem:$0x1A900] =	vst v63  }
0x13b: {  	s12 =	simm.s32 $0x2100  }
0x13c: {  	[tilespmem:s12], [sflag:$0x1] =	stream.indirect_vreg.gather [hbm4b:s3+s2], $0x80, v3, vm0, $0xb8;
	[tilespmem:$0x1A900] =	vst v63  }
0x13d: {  	v3 =	vld [tilespmem:s9+$0xFFFFFE88];
	_ =	sdelay $0x4  }
0x13e: {  	v52 =	vshll.u32 v3, $0x1  }
0x13f: {  	v3 =	vand.u32 $0x7, v3;
	v4 =	vand.u32 $0xFFFFFFF0, v52  }
0x140: {  	v3 =	vor.u32 v3, v4  }
0x141: {  	v4 =	vperm.xlane v3, v0;
	_ =	sdelay $0x1  }
0x142: {  	v3 =	vperm.xlane v3, v2;
	v4 =	vadd.s32 v1, v4;
	_ =	sdelay $0x1  }
0x143: {  	v3 =	vadd.s32 v1, v3;
	_ =	sdelay $0x1  }
0x144: {  	s12 =	simm.s32 $0x2900  }
0x145: {  	[tilespmem:s12], [sflag:$0x1] =	stream.indirect_vreg.gather [hbm4b:s3+s2], $0x80, v4, vm0, $0xb8;
	[tilespmem:$0x1A900] =	vst v63  }
0x146: {  	s12 =	simm.s32 $0x3100  }
0x147: {  	[tilespmem:s12], [sflag:$0x1] =	stream.indirect_vreg.gather [hbm4b:s3+s2], $0x80, v3, vm0, $0xb8;
	[tilespmem:$0x1A900] =	vst v63  }
0x148: {  	v3 =	vld [tilespmem:s9+$0xFFFFFE98];
	_ =	sdelay $0x4  }
0x149: {  	v53 =	vshll.u32 v3, $0x1  }
0x14a: {  	v3 =	vand.u32 $0x7, v3;
	v4 =	vand.u32 $0xFFFFFFF0, v53  }
0x14b: {  	v3 =	vor.u32 v3, v4  }
0x14c: {  	v4 =	vperm.xlane v3, v0;
	_ =	sdelay $0x1  }
0x14d: {  	v3 =	vperm.xlane v3, v2;
	v4 =	vadd.s32 v1, v4;
	_ =	sdelay $0x1  }
0x14e: {  	v3 =	vadd.s32 v1, v3;
	_ =	sdelay $0x1  }
0x14f: {  	s12 =	simm.s32 $0x3900  }
0x150: {  	[tilespmem:s12], [sflag:$0x1] =	stream.indirect_vreg.gather [hbm4b:s3+s2], $0x80, v4, vm0, $0xb8;
	[tilespmem:$0x1A900] =	vst v63  }
0x151: {  	s12 =	simm.s32 $0x4100  }
0x152: {  	[tilespmem:s12], [sflag:$0x1] =	stream.indirect_vreg.gather [hbm4b:s3+s2], $0x80, v3, vm0, $0xb8;
	[tilespmem:$0x1A900] =	vst v63  }
0x153: {  	v3 =	vld [tilespmem:s9+$0xFFFFFEA8];
	_ =	sdelay $0x4  }
0x154: {  	v54 =	vshll.u32 v3, $0x1  }
0x155: {  	v3 =	vand.u32 $0x7, v3;
	v4 =	vand.u32 $0xFFFFFFF0, v54  }
0x156: {  	v3 =	vor.u32 v3, v4  }
0x157: {  	v4 =	vperm.xlane v3, v0;
	_ =	sdelay $0x1  }
0x158: {  	v3 =	vperm.xlane v3, v2;
	v4 =	vadd.s32 v1, v4;
	_ =	sdelay $0x1  }
0x159: {  	v3 =	vadd.s32 v1, v3;
	_ =	sdelay $0x1  }
0x15a: {  	s12 =	simm.s32 $0x4900  }
0x15b: {  	[tilespmem:s12], [sflag:$0x1] =	stream.indirect_vreg.gather [hbm4b:s3+s2], $0x80, v4, vm0, $0xb8;
	[tilespmem:$0x1A900] =	vst v63  }
0x15c: {  	s12 =	simm.s32 $0x5100  }
0x15d: {  	[tilespmem:s12], [sflag:$0x1] =	stream.indirect_vreg.gather [hbm4b:s3+s2], $0x80, v3, vm0, $0xb8;
	[tilespmem:$0x1A900] =	vst v63  }
0x15e: {  	v3 =	vld [tilespmem:s9+$0xFFFFFEB8];
	_ =	sdelay $0x4  }
0x15f: {  	v55 =	vshll.u32 v3, $0x1  }
0x160: {  	v3 =	vand.u32 $0x7, v3;
	v4 =	vand.u32 $0xFFFFFFF0, v55  }
0x161: {  	v3 =	vor.u32 v3, v4  }
0x162: {  	v4 =	vperm.xlane v3, v0;
	_ =	sdelay $0x1  }
0x163: {  	v3 =	vperm.xlane v3, v2;
	v4 =	vadd.s32 v1, v4;
	_ =	sdelay $0x1  }
0x164: {  	v3 =	vadd.s32 v1, v3;
	_ =	sdelay $0x1  }
0x165: {  	s12 =	simm.s32 $0x5900  }
0x166: {  	[tilespmem:s12], [sflag:$0x1] =	stream.indirect_vreg.gather [hbm4b:s3+s2], $0x80, v4, vm0, $0xb8;
	[tilespmem:$0x1A900] =	vst v63  }
0x167: {  	s12 =	simm.s32 $0x6100  }
0x168: {  	[tilespmem:s12], [sflag:$0x1] =	stream.indirect_vreg.gather [hbm4b:s3+s2], $0x80, v3, vm0, $0xb8;
	[tilespmem:$0x1A900] =	vst v63  }
0x169: {  	v3 =	vld [tilespmem:s9+$0xFFFFFEC8];
	_ =	sdelay $0x4  }
0x16a: {  	v56 =	vshll.u32 v3, $0x1  }
0x16b: {  	v3 =	vand.u32 $0x7, v3;
	v4 =	vand.u32 $0xFFFFFFF0, v56  }
0x16c: {  	v3 =	vor.u32 v3, v4  }
0x16d: {  	v4 =	vperm.xlane v3, v0;
	_ =	sdelay $0x1  }
0x16e: {  	v3 =	vperm.xlane v3, v2;
	v4 =	vadd.s32 v1, v4;
	_ =	sdelay $0x1  }
0x16f: {  	v3 =	vadd.s32 v1, v3;
	_ =	sdelay $0x1  }
0x170: {  	s12 =	simm.s32 $0x6900  }
0x171: {  	[tilespmem:s12], [sflag:$0x1] =	stream.indirect_vreg.gather [hbm4b:s3+s2], $0x80, v4, vm0, $0xb8;
	[tilespmem:$0x1A900] =	vst v63  }
0x172: {  	s12 =	simm.s32 $0x7100  }
0x173: {  	[tilespmem:s12], [sflag:$0x1] =	stream.indirect_vreg.gather [hbm4b:s3+s2], $0x80, v3, vm0, $0xb8;
	[tilespmem:$0x1A900] =	vst v63  }
0x174: {  	v3 =	vld [tilespmem:s9+$0xFFFFFED8];
	_ =	sdelay $0x4  }
0x175: {  	v57 =	vshll.u32 v3, $0x1  }
0x176: {  	v3 =	vand.u32 $0x7, v3;
	v4 =	vand.u32 $0xFFFFFFF0, v57  }
0x177: {  	v3 =	vor.u32 v3, v4  }
0x178: {  	v4 =	vperm.xlane v3, v0;
	_ =	sdelay $0x1  }
0x179: {  	v3 =	vperm.xlane v3, v2;
	v4 =	vadd.s32 v1, v4;
	_ =	sdelay $0x1  }
0x17a: {  	v3 =	vadd.s32 v1, v3;
	_ =	sdelay $0x1  }
0x17b: {  	s12 =	simm.s32 $0x7900  }
0x17c: {  	[tilespmem:s12], [sflag:$0x1] =	stream.indirect_vreg.gather [hbm4b:s3+s2], $0x80, v4, vm0, $0xb8;
	[tilespmem:$0x1A900] =	vst v63  }
0x17d: {  	s12 =	simm.s32 $0x8100  }
0x17e: {  	[tilespmem:s12], [sflag:$0x1] =	stream.indirect_vreg.gather [hbm4b:s3+s2], $0x80, v3, vm0, $0xb8;
	[tilespmem:$0x1A900] =	vst v63  }
0x17f: {  	v3 =	vld [tilespmem:s9+$0xFFFFFEE8];
	_ =	sdelay $0x4  }
0x180: {  	v58 =	vshll.u32 v3, $0x1  }
0x181: {  	v3 =	vand.u32 $0x7, v3;
	v4 =	vand.u32 $0xFFFFFFF0, v58  }
0x182: {  	v3 =	vor.u32 v3, v4  }
0x183: {  	v4 =	vperm.xlane v3, v0;
	_ =	sdelay $0x1  }
0x184: {  	v3 =	vperm.xlane v3, v2;
	v4 =	vadd.s32 v1, v4;
	_ =	sdelay $0x1  }
0x185: {  	v3 =	vadd.s32 v1, v3;
	_ =	sdelay $0x1  }
0x186: {  	s12 =	simm.s32 $0x8900  }
0x187: {  	[tilespmem:s12], [sflag:$0x1] =	stream.indirect_vreg.gather [hbm4b:s3+s2], $0x80, v4, vm0, $0xb8;
	[tilespmem:$0x1A900] =	vst v63  }
0x188: {  	s12 =	simm.s32 $0x9100  }
0x189: {  	[tilespmem:s12], [sflag:$0x1] =	stream.indirect_vreg.gather [hbm4b:s3+s2], $0x80, v3, vm0, $0xb8;
	[tilespmem:$0x1A900] =	vst v63  }
0x18a: {  	v3 =	vld [tilespmem:s9+$0xFFFFFEF8];
	_ =	sdelay $0x4  }
0x18b: {  	v59 =	vshll.u32 v3, $0x1  }
0x18c: {  	v3 =	vand.u32 $0x7, v3;
	v4 =	vand.u32 $0xFFFFFFF0, v59  }
0x18d: {  	v3 =	vor.u32 v3, v4  }
0x18e: {  	v4 =	vperm.xlane v3, v0;
	_ =	sdelay $0x1  }
0x18f: {  	v3 =	vperm.xlane v3, v2;
	v4 =	vadd.s32 v1, v4;
	_ =	sdelay $0x1  }
0x190: {  	v3 =	vadd.s32 v1, v3;
	_ =	sdelay $0x1  }
0x191: {  	s12 =	simm.s32 $0x9900  }
0x192: {  	[tilespmem:s12], [sflag:$0x1] =	stream.indirect_vreg.gather [hbm4b:s3+s2], $0x80, v4, vm0, $0xb8;
	[tilespmem:$0x1A900] =	vst v63  }
0x193: {  	s12 =	simm.s32 $0xA100  }
0x194: {  	[tilespmem:s12], [sflag:$0x1] =	stream.indirect_vreg.gather [hbm4b:s3+s2], $0x80, v3, vm0, $0xb8;
	[tilespmem:$0x1A900] =	vst v63  }
0x195: {  	v3 =	vld [tilespmem:s9+$0xFFFFFF08];
	_ =	sdelay $0x4  }
0x196: {  	v60 =	vshll.u32 v3, $0x1  }
0x197: {  	v3 =	vand.u32 $0x7, v3;
	v4 =	vand.u32 $0xFFFFFFF0, v60  }
0x198: {  	v3 =	vor.u32 v3, v4  }
0x199: {  	v4 =	vperm.xlane v3, v0;
	_ =	sdelay $0x1  }
0x19a: {  	v3 =	vperm.xlane v3, v2;
	v4 =	vadd.s32 v1, v4;
	_ =	sdelay $0x1  }
0x19b: {  	v3 =	vadd.s32 v1, v3;
	_ =	sdelay $0x1  }
0x19c: {  	s12 =	simm.s32 $0xA900  }
0x19d: {  	[tilespmem:s12], [sflag:$0x1] =	stream.indirect_vreg.gather [hbm4b:s3+s2], $0x80, v4, vm0, $0xb8;
	[tilespmem:$0x1A900] =	vst v63  }
0x19e: {  	s12 =	simm.s32 $0xB100  }
0x19f: {  	[tilespmem:s12], [sflag:$0x1] =	stream.indirect_vreg.gather [hbm4b:s3+s2], $0x80, v3, vm0, $0xb8;
	[tilespmem:$0x1A900] =	vst v63  }
0x1a0: {  	v3 =	vld [tilespmem:s9+$0xFFFFFF18];
	_ =	sdelay $0x4  }
0x1a1: {  	v61 =	vshll.u32 v3, $0x1  }
0x1a2: {  	v3 =	vand.u32 $0x7, v3;
	v4 =	vand.u32 $0xFFFFFFF0, v61  }
0x1a3: {  	v3 =	vor.u32 v3, v4  }
0x1a4: {  	v4 =	vperm.xlane v3, v0;
	_ =	sdelay $0x1  }
0x1a5: {  	v3 =	vperm.xlane v3, v2;
	v4 =	vadd.s32 v1, v4;
	_ =	sdelay $0x1  }
0x1a6: {  	v3 =	vadd.s32 v1, v3;
	_ =	sdelay $0x1  }
0x1a7: {  	s12 =	simm.s32 $0xB900  }
0x1a8: {  	[tilespmem:s12], [sflag:$0x1] =	stream.indirect_vreg.gather [hbm4b:s3+s2], $0x80, v4, vm0, $0xb8;
	[tilespmem:$0x1A900] =	vst v63  }
0x1a9: {  	s12 =	simm.s32 $0xC100  }
0x1aa: {  	[tilespmem:s12], [sflag:$0x1] =	stream.indirect_vreg.gather [hbm4b:s3+s2], $0x80, v3, vm0, $0xb8;
	[tilespmem:$0x1A900] =	vst v63  }
0x1ab: {  	v3 =	vld [tilespmem:s9+$0xFFFFFF28];
	_ =	sdelay $0x4  }
0x1ac: {  	v62 =	vshll.u32 v3, $0x1  }
0x1ad: {  	v3 =	vand.u32 $0x7, v3;
	v4 =	vand.u32 $0xFFFFFFF0, v62  }
0x1ae: {  	v3 =	vor.u32 v3, v4  }
0x1af: {  	v4 =	vperm.xlane v3, v0;
	_ =	sdelay $0x1  }
0x1b0: {  	v3 =	vperm.xlane v3, v2;
	v4 =	vadd.s32 v1, v4;
	_ =	sdelay $0x1  }
0x1b1: {  	v3 =	vadd.s32 v1, v3;
	_ =	sdelay $0x1  }
0x1b2: {  	s12 =	simm.s32 $0xC900  }
0x1b3: {  	[tilespmem:s12], [sflag:$0x1] =	stream.indirect_vreg.gather [hbm4b:s3+s2], $0x80, v4, vm0, $0xb8;
	[tilespmem:$0x1A900] =	vst v63  }
0x1b4: {  	s12 =	simm.s32 $0xD100  }
0x1b5: {  	[tilespmem:s12], [sflag:$0x1] =	stream.indirect_vreg.gather [hbm4b:s3+s2], $0x80, v3, vm0, $0xb8;
	[tilespmem:$0x1A900] =	vst v63  }
0x1b6: {  	v3 =	vld.msk [tilespmem:s9+$0xFFFFFF38], $0xff;
	_ =	sdelay $0x4  }
0x1b7: {  	v63 =	vshll.u32 v3, $0x1  }
0x1b8: {  	v3 =	vand.u32 $0x7, v3;
	v4 =	vand.u32 $0xFFFFFFF0, v63  }
0x1b9: {  	v3 =	vor.u32 v3, v4  }
0x1ba: {  	v3 =	vperm.xlane v3, v0;
	_ =	sdelay $0x1  }
0x1bb: {  	v3 =	vadd.s32 v1, v3;
	_ =	sdelay $0x3  }
0x1bc: {  	s12 =	simm.s32 $0xD900  }
0x1bd: {  	[tilespmem:s12], [sflag:$0x1] =	stream.indirect_vreg.gather [hbm4b:s3+s2], $0x80, v3, vm0, $0xb8;
	[tilespmem:$0x1A900] =	vst v63  }
0x1be: {  	s12 =	simm.s32 $0xE900  }
.LBB2_4:
0x1bf: {  	_ =	swait.ge [sflag:s5], $0xC800  }
0x1c0: {  	[sflag:s5] =	ssyncset.done $0x0  }
.Ltmp3:
0x1c1: {  	s11 =	sadd.s32 $0x1900, s11;
	[sflag:s5] =	ssyncadd.s32 $0xFFFF3800;
	(pc) =	sbr.rel @p0 .LBB2_6-.Ltmp3, $4  }
0x1c2: {  	[hbm4b:s11+s2] =	stream.linear.scatter [tilespmem:s4], [sflag:$0x3], $0xC800, $0x38;
	[tilespmem:$0x1A900] =	vst v63  }
0x1c3: {  	_ =	swait.ge [sflag:s7], $0xC800  }
0x1c4: {  	[sflag:s7] =	ssyncset.done $0x0  }
0x1c5: {  	[sflag:s7] =	ssyncadd.s32 $0xFFFF3800  }
0x1c6: {  	v3 =	vld [tilespmem:s9+$0xFFFFFF40];
	_ =	sdelay $0x4  }
0x1c7: {  	v4 =	vshll.u32 v3, $0x1  }
0x1c8: {  	v3 =	vand.u32 $0x7, v3;
	v4 =	vand.u32 $0xFFFFFFF0, v4  }
0x1c9: {  	v3 =	vor.u32 v3, v4  }
0x1ca: {  	v4 =	vperm.xlane v3, v0;
	_ =	sdelay $0x1  }
0x1cb: {  	v3 =	vperm.xlane v3, v2;
	v4 =	vadd.s32 v1, v4;
	_ =	sdelay $0x1  }
0x1cc: {  	v3 =	vadd.s32 v1, v3;
	_ =	sdelay $0x2  }
0x1cd: {  	[tilespmem:s4], [sflag:$0x2] =	stream.indirect_vreg.gather [hbm4b:s3+s2], $0x80, v4, vm0, $0xb8;
	[tilespmem:$0x1A900] =	vst v63  }
0x1ce: {  	_ = 	snop  }
0x1cf: {  	[tilespmem:s12], [sflag:$0x2] =	stream.indirect_vreg.gather [hbm4b:s3+s2], $0x80, v3, vm0, $0xb8;
	[tilespmem:$0x1A900] =	vst v63  }
0x1d0: {  	v3 =	vld [tilespmem:s9+$0xFFFFFF50];
	_ =	sdelay $0x4  }
0x1d1: {  	v52 =	vshll.u32 v3, $0x1  }
0x1d2: {  	v3 =	vand.u32 $0x7, v3;
	v4 =	vand.u32 $0xFFFFFFF0, v52  }
0x1d3: {  	v3 =	vor.u32 v3, v4  }
0x1d4: {  	v4 =	vperm.xlane v3, v0;
	_ =	sdelay $0x1  }
0x1d5: {  	v3 =	vperm.xlane v3, v2;
	v4 =	vadd.s32 v1, v4;
	_ =	sdelay $0x1  }
0x1d6: {  	v3 =	vadd.s32 v1, v3;
	_ =	sdelay $0x1  }
0x1d7: {  	s11 =	simm.s32 $0xF100  }
0x1d8: {  	[tilespmem:s11], [sflag:$0x2] =	stream.indirect_vreg.gather [hbm4b:s3+s2], $0x80, v4, vm0, $0xb8;
	[tilespmem:$0x1A900] =	vst v63  }
0x1d9: {  	s11 =	simm.s32 $0xF900  }
0x1da: {  	[tilespmem:s11], [sflag:$0x2] =	stream.indirect_vreg.gather [hbm4b:s3+s2], $0x80, v3, vm0, $0xb8;
	[tilespmem:$0x1A900] =	vst v63  }
0x1db: {  	v3 =	vld [tilespmem:s9+$0xFFFFFF60];
	_ =	sdelay $0x4  }
0x1dc: {  	v53 =	vshll.u32 v3, $0x1  }
0x1dd: {  	v3 =	vand.u32 $0x7, v3;
	v4 =	vand.u32 $0xFFFFFFF0, v53  }
0x1de: {  	v3 =	vor.u32 v3, v4  }
0x1df: {  	v4 =	vperm.xlane v3, v0;
	_ =	sdelay $0x1  }
0x1e0: {  	v3 =	vperm.xlane v3, v2;
	v4 =	vadd.s32 v1, v4;
	_ =	sdelay $0x1  }
0x1e1: {  	v3 =	vadd.s32 v1, v3;
	_ =	sdelay $0x1  }
0x1e2: {  	s11 =	simm.s32 $0x10100  }
0x1e3: {  	[tilespmem:s11], [sflag:$0x2] =	stream.indirect_vreg.gather [hbm4b:s3+s2], $0x80, v4, vm0, $0xb8;
	[tilespmem:$0x1A900] =	vst v63  }
0x1e4: {  	s11 =	simm.s32 $0x10900  }
0x1e5: {  	[tilespmem:s11], [sflag:$0x2] =	stream.indirect_vreg.gather [hbm4b:s3+s2], $0x80, v3, vm0, $0xb8;
	[tilespmem:$0x1A900] =	vst v63  }
0x1e6: {  	v3 =	vld [tilespmem:s9+$0xFFFFFF70];
	_ =	sdelay $0x4  }
0x1e7: {  	v54 =	vshll.u32 v3, $0x1  }
0x1e8: {  	v3 =	vand.u32 $0x7, v3;
	v4 =	vand.u32 $0xFFFFFFF0, v54  }
0x1e9: {  	v3 =	vor.u32 v3, v4  }
0x1ea: {  	v4 =	vperm.xlane v3, v0;
	_ =	sdelay $0x1  }
0x1eb: {  	v3 =	vperm.xlane v3, v2;
	v4 =	vadd.s32 v1, v4;
	_ =	sdelay $0x1  }
0x1ec: {  	v3 =	vadd.s32 v1, v3;
	_ =	sdelay $0x2  }
0x1ed: {  	[tilespmem:s13], [sflag:$0x2] =	stream.indirect_vreg.gather [hbm4b:s3+s2], $0x80, v4, vm0, $0xb8;
	[tilespmem:$0x1A900] =	vst v63  }
0x1ee: {  	_ = 	snop  }
0x1ef: {  	[tilespmem:s14], [sflag:$0x2] =	stream.indirect_vreg.gather [hbm4b:s3+s2], $0x80, v3, vm0, $0xb8;
	[tilespmem:$0x1A900] =	vst v63  }
0x1f0: {  	v3 =	vld [tilespmem:s9+$0xFFFFFF80];
	_ =	sdelay $0x4  }
0x1f1: {  	v55 =	vshll.u32 v3, $0x1  }
0x1f2: {  	v3 =	vand.u32 $0x7, v3;
	v4 =	vand.u32 $0xFFFFFFF0, v55  }
0x1f3: {  	v3 =	vor.u32 v3, v4  }
0x1f4: {  	v4 =	vperm.xlane v3, v0;
	_ =	sdelay $0x1  }
0x1f5: {  	v3 =	vperm.xlane v3, v2;
	v4 =	vadd.s32 v1, v4;
	_ =	sdelay $0x1  }
0x1f6: {  	v3 =	vadd.s32 v1, v3;
	_ =	sdelay $0x2  }
0x1f7: {  	[tilespmem:s15], [sflag:$0x2] =	stream.indirect_vreg.gather [hbm4b:s3+s2], $0x80, v4, vm0, $0xb8;
	[tilespmem:$0x1A900] =	vst v63  }
0x1f8: {  	_ = 	snop  }
0x1f9: {  	[tilespmem:s16], [sflag:$0x2] =	stream.indirect_vreg.gather [hbm4b:s3+s2], $0x80, v3, vm0, $0xb8;
	[tilespmem:$0x1A900] =	vst v63  }
0x1fa: {  	v3 =	vld [tilespmem:s9+$0xFFFFFF90];
	_ =	sdelay $0x4  }
0x1fb: {  	v56 =	vshll.u32 v3, $0x1  }
0x1fc: {  	v3 =	vand.u32 $0x7, v3;
	v4 =	vand.u32 $0xFFFFFFF0, v56  }
0x1fd: {  	v3 =	vor.u32 v3, v4  }
0x1fe: {  	v4 =	vperm.xlane v3, v0;
	_ =	sdelay $0x1  }
0x1ff: {  	v3 =	vperm.xlane v3, v2;
	v4 =	vadd.s32 v1, v4;
	_ =	sdelay $0x1  }
0x200: {  	v3 =	vadd.s32 v1, v3;
	_ =	sdelay $0x2  }
0x201: {  	[tilespmem:s17], [sflag:$0x2] =	stream.indirect_vreg.gather [hbm4b:s3+s2], $0x80, v4, vm0, $0xb8;
	[tilespmem:$0x1A900] =	vst v63  }
0x202: {  	_ = 	snop  }
0x203: {  	[tilespmem:s18], [sflag:$0x2] =	stream.indirect_vreg.gather [hbm4b:s3+s2], $0x80, v3, vm0, $0xb8;
	[tilespmem:$0x1A900] =	vst v63  }
0x204: {  	v3 =	vld [tilespmem:s9+$0xFFFFFFA0];
	_ =	sdelay $0x4  }
0x205: {  	v57 =	vshll.u32 v3, $0x1  }
0x206: {  	v3 =	vand.u32 $0x7, v3;
	v4 =	vand.u32 $0xFFFFFFF0, v57  }
0x207: {  	v3 =	vor.u32 v3, v4  }
0x208: {  	v4 =	vperm.xlane v3, v0;
	_ =	sdelay $0x1  }
0x209: {  	v3 =	vperm.xlane v3, v2;
	v4 =	vadd.s32 v1, v4;
	_ =	sdelay $0x1  }
0x20a: {  	v3 =	vadd.s32 v1, v3;
	_ =	sdelay $0x2  }
0x20b: {  	[tilespmem:s19], [sflag:$0x2] =	stream.indirect_vreg.gather [hbm4b:s3+s2], $0x80, v4, vm0, $0xb8;
	[tilespmem:$0x1A900] =	vst v63  }
0x20c: {  	_ = 	snop  }
0x20d: {  	[tilespmem:s20], [sflag:$0x2] =	stream.indirect_vreg.gather [hbm4b:s3+s2], $0x80, v3, vm0, $0xb8;
	[tilespmem:$0x1A900] =	vst v63  }
0x20e: {  	v3 =	vld [tilespmem:s9+$0xFFFFFFB0];
	_ =	sdelay $0x4  }
0x20f: {  	v58 =	vshll.u32 v3, $0x1  }
0x210: {  	v3 =	vand.u32 $0x7, v3;
	v4 =	vand.u32 $0xFFFFFFF0, v58  }
0x211: {  	v3 =	vor.u32 v3, v4  }
0x212: {  	v4 =	vperm.xlane v3, v0;
	_ =	sdelay $0x1  }
0x213: {  	v3 =	vperm.xlane v3, v2;
	v4 =	vadd.s32 v1, v4;
	_ =	sdelay $0x1  }
0x214: {  	v3 =	vadd.s32 v1, v3;
	_ =	sdelay $0x2  }
0x215: {  	[tilespmem:s21], [sflag:$0x2] =	stream.indirect_vreg.gather [hbm4b:s3+s2], $0x80, v4, vm0, $0xb8;
	[tilespmem:$0x1A900] =	vst v63  }
0x216: {  	_ = 	snop  }
0x217: {  	[tilespmem:s22], [sflag:$0x2] =	stream.indirect_vreg.gather [hbm4b:s3+s2], $0x80, v3, vm0, $0xb8;
	[tilespmem:$0x1A900] =	vst v63  }
0x218: {  	v3 =	vld [tilespmem:s9+$0xFFFFFFC0];
	_ =	sdelay $0x4  }
0x219: {  	v59 =	vshll.u32 v3, $0x1  }
0x21a: {  	v3 =	vand.u32 $0x7, v3;
	v4 =	vand.u32 $0xFFFFFFF0, v59  }
0x21b: {  	v3 =	vor.u32 v3, v4  }
0x21c: {  	v4 =	vperm.xlane v3, v0;
	_ =	sdelay $0x1  }
0x21d: {  	v3 =	vperm.xlane v3, v2;
	v4 =	vadd.s32 v1, v4;
	_ =	sdelay $0x1  }
0x21e: {  	v3 =	vadd.s32 v1, v3;
	_ =	sdelay $0x2  }
0x21f: {  	[tilespmem:s23], [sflag:$0x2] =	stream.indirect_vreg.gather [hbm4b:s3+s2], $0x80, v4, vm0, $0xb8;
	[tilespmem:$0x1A900] =	vst v63  }
0x220: {  	_ = 	snop  }
0x221: {  	[tilespmem:s24], [sflag:$0x2] =	stream.indirect_vreg.gather [hbm4b:s3+s2], $0x80, v3, vm0, $0xb8;
	[tilespmem:$0x1A900] =	vst v63  }
0x222: {  	v3 =	vld [tilespmem:s9+$0xFFFFFFD0];
	_ =	sdelay $0x4  }
0x223: {  	v60 =	vshll.u32 v3, $0x1  }
0x224: {  	v3 =	vand.u32 $0x7, v3;
	v4 =	vand.u32 $0xFFFFFFF0, v60  }
0x225: {  	v3 =	vor.u32 v3, v4  }
0x226: {  	v4 =	vperm.xlane v3, v0;
	_ =	sdelay $0x1  }
0x227: {  	v3 =	vperm.xlane v3, v2;
	v4 =	vadd.s32 v1, v4;
	_ =	sdelay $0x1  }
0x228: {  	v3 =	vadd.s32 v1, v3;
	_ =	sdelay $0x2  }
0x229: {  	[tilespmem:s25], [sflag:$0x2] =	stream.indirect_vreg.gather [hbm4b:s3+s2], $0x80, v4, vm0, $0xb8;
	[tilespmem:$0x1A900] =	vst v63  }
0x22a: {  	_ = 	snop  }
0x22b: {  	[tilespmem:s26], [sflag:$0x2] =	stream.indirect_vreg.gather [hbm4b:s3+s2], $0x80, v3, vm0, $0xb8;
	[tilespmem:$0x1A900] =	vst v63  }
0x22c: {  	v3 =	vld [tilespmem:s9+$0xFFFFFFE0];
	_ =	sdelay $0x4  }
0x22d: {  	v61 =	vshll.u32 v3, $0x1  }
0x22e: {  	v3 =	vand.u32 $0x7, v3;
	v4 =	vand.u32 $0xFFFFFFF0, v61  }
0x22f: {  	v3 =	vor.u32 v3, v4  }
0x230: {  	v4 =	vperm.xlane v3, v0;
	_ =	sdelay $0x1  }
0x231: {  	v3 =	vperm.xlane v3, v2;
	v4 =	vadd.s32 v1, v4;
	_ =	sdelay $0x1  }
0x232: {  	v3 =	vadd.s32 v1, v3;
	_ =	sdelay $0x2  }
0x233: {  	[tilespmem:s28], [sflag:$0x2] =	stream.indirect_vreg.gather [hbm4b:s3+s2], $0x80, v4, vm0, $0xb8;
	[tilespmem:$0x1A900] =	vst v63  }
0x234: {  	_ = 	snop  }
0x235: {  	[tilespmem:s29], [sflag:$0x2] =	stream.indirect_vreg.gather [hbm4b:s3+s2], $0x80, v3, vm0, $0xb8;
	[tilespmem:$0x1A900] =	vst v63  }
0x236: {  	v3 =	vld [tilespmem:s9+$0xFFFFFFF0];
	_ =	sdelay $0x4  }
0x237: {  	v62 =	vshll.u32 v3, $0x1  }
0x238: {  	v3 =	vand.u32 $0x7, v3;
	v4 =	vand.u32 $0xFFFFFFF0, v62  }
0x239: {  	v3 =	vor.u32 v3, v4  }
0x23a: {  	v4 =	vperm.xlane v3, v0;
	_ =	sdelay $0x1  }
0x23b: {  	v3 =	vperm.xlane v3, v2;
	v4 =	vadd.s32 v1, v4;
	_ =	sdelay $0x1  }
0x23c: {  	v3 =	vadd.s32 v1, v3;
	_ =	sdelay $0x2  }
0x23d: {  	[tilespmem:s30], [sflag:$0x2] =	stream.indirect_vreg.gather [hbm4b:s3+s2], $0x80, v4, vm0, $0xb8;
	[tilespmem:$0x1A900] =	vst v63  }
0x23e: {  	_ = 	snop  }
0x23f: {  	[tilespmem:s31], [sflag:$0x2] =	stream.indirect_vreg.gather [hbm4b:s3+s2], $0x80, v3, vm0, $0xb8;
	[tilespmem:$0x1A900] =	vst v63  }
0x240: {  	v3 =	vld.msk [tilespmem:s9+$0x0], $0xff;
	_ =	sdelay $0x4  }
0x241: {  	v63 =	vshll.u32 v3, $0x1  }
0x242: {  	v3 =	vand.u32 $0x7, v3;
	v4 =	vand.u32 $0xFFFFFFF0, v63  }
0x243: {  	v3 =	vor.u32 v3, v4  }
0x244: {  	v3 =	vperm.xlane v3, v0;
	_ =	sdelay $0x1  }
0x245: {  	v3 =	vadd.s32 v1, v3  }
.Ltmp4:
0x246: {  	_ = 	snop;
	(pc) =	sbr.rel .LBB2_2-.Ltmp4, $3  }
0x247: {  	_ =	sdelay $0x1  }
0x248: {  	s10 =	sadd.s32 $0x3200, s10;
	s9 =	sadd.s32 $0x190, s9  }
0x249: {  	[tilespmem:s0], [sflag:$0x2] =	stream.indirect_vreg.gather [hbm4b:s3+s2], $0x80, v3, vm0, $0xb8;
	[tilespmem:$0x1A900] =	vst v63  }
.LBB2_7:
0x24a: {  	_ =	sfence.sel $0x180000  }
0x24b: {  	[bflag:$0x0] =	sbarrier.arrive $0xFFFF  }
0x24c: {  	_ =	strace $0x90000047  }
0x24d: {  	s0 =	stileid.u32;
	[bflag:$0x2] =	sbarrier.arrive $0xFFFF  }
0x24e: {  	p0 =	sne.s32 s0, $0x0;
	s0 =	rddreg [dreg:$0x2]  }
0x24f: {  	s0 =	sadd.s32 @!p0 $0x100000, s0  }
0x250: {  	[sflag:s0] =	ssyncadd.tile.s32 @!p0 $0x1;
	_ =	shalt  }
.Lfunc_end2:
_tile_overlayer_lowered:
.L_overlay_start_2:
0x251: {  	(tag) =	ssettag $0x2  }
0x252: {  	s0 =	rddreg [dreg:$0x0];
	s2 =	stileid.u32  }
0x253: {  	s1 =	rddreg [dreg:$0x1];
	p0 =	sne.s32 s2, $0x0  }
0x254: {  	s3 =	rddreg [dreg:$0x2];
	[bflag:$0x3] =	sbarrier.arrive $0xFFFF;
	s2 =	simm.s32 @!p0 $0x1C03  }
0x255: {  	[timem:s3], [sflag:s2] =	dma.local @!p0 [hbm:s0], s1  }
0x256: {  	s0 =	simm.s32 @!p0 $0x3  }
0x257: {  	_ =	swait.ge @!p0 [sflag:s0], s1  }
0x258: {  	s1 =	ssub.s32 @!p0 $0x0, s1;
	[sflag:s0] =	ssyncset.done @!p0 $0x0  }
0x259: {  	[sflag:s0] =	ssyncadd.s32 @!p0 s1  }
0x25a: {  	[bflag:$0x3] =	sbarrier.arrive $0xFFFF  }
0x25b: {  	_ =	shalt  }

</sc_bundles>
